<compile_context>
chip_gen: v7x
topology: tpu7x:2x2x1
jax: 0.10.2.dev20260603
libtpu: 0.0.44.dev20260713+nightly
codegen_flags: <defaults>
</compile_context>

<pallas_src>
import jax
import jax.numpy as jnp
from jax import lax
from jax.experimental import pallas as pl
from jax.experimental.pallas import tpu as pltpu
from jax.experimental.pallas import tpu_sc as plsc

VOCAB = 100000
D_MODEL = 2048
B, S = 4, 2048
N_FLAT = B * S

NC, NS = 2, 16
NW = NC * NS
S_PER_W = S // NW
C_S = 4
ROWS = B * C_S
N_CHUNK = S_PER_W // C_S
PER_W = B * S_PER_W
LANES = 16
VECS_PER_ROW = D_MODEL // LANES


def _body(
    x_hbm,
    table_hbm,
    pos_hbm,
    out_hbm,
    idx_v,
    buf0,
    buf1,
    pos0,
    pos1,
    sg0,
    sg1,
    sp0,
    sp1,
    ss0,
    ss1,
):
    wid = lax.axis_index("s") * NC + lax.axis_index("c")
    sbase = wid * S_PER_W

    bufs = (buf0, buf1)
    poss = (pos0, pos1)
    sgs = (sg0, sg1)
    sps = (sp0, sp1)
    sss = (ss0, ss1)

    pltpu.sync_copy(x_hbm.at[pl.ds(wid * PER_W, PER_W)], idx_v)

    def issue_loads(c, slot):
        pltpu.async_copy(
            table_hbm.at[idx_v.at[pl.ds(c * ROWS, ROWS)]], bufs[slot], sgs[slot]
        )
        pltpu.async_copy(
            pos_hbm.at[pl.ds(sbase + c * C_S, C_S)], poss[slot], sps[slot]
        )

    def wait_loads(slot):
        pltpu.make_async_copy(table_hbm.at[pl.ds(0, ROWS)], bufs[slot], sgs[slot]).wait()
        pltpu.make_async_copy(pos_hbm.at[pl.ds(0, C_S)], poss[slot], sps[slot]).wait()

    def wait_store(slot):
        pltpu.make_async_copy(bufs[slot], out_hbm.at[pl.ds(0, ROWS)], sss[slot]).wait()

    def do_chunk(c, slot):
        other = 1 - slot

        @pl.when(c + 1 < N_CHUNK)
        def _():
            @pl.when(c >= 1)
            def _():
                wait_store(other)

            issue_loads(c + 1, other)

        wait_loads(slot)

        buf, posb = bufs[slot], poss[slot]

        def vec_body(j, _):
            sl = pl.ds(j * LANES, LANES)
            for t in range(C_S):
                pv = posb[t, sl]
                for b in range(B):
                    r = b * C_S + t
                    buf[r, sl] = buf[r, sl] + pv
            return 0

        lax.fori_loop(0, VECS_PER_ROW, vec_body, 0)

        for b in range(B):
            pltpu.async_copy(
                buf.at[pl.ds(b * C_S, C_S)],
                out_hbm.at[pl.ds(b * S + sbase + c * C_S, C_S)],
                sss[slot],
            )

    issue_loads(0, 0)

    def pair(k, _):
        do_chunk(k * 2, 0)
        do_chunk(k * 2 + 1, 1)
        return 0

    lax.fori_loop(0, N_CHUNK // 2, pair, 0)

    wait_store(0)
    wait_store(1)


@jax.jit
def kernel(x, table, pos):
    xr = (
        x.reshape(B, NW, N_CHUNK, C_S)
        .transpose(1, 2, 0, 3)
        .reshape(N_FLAT)
        .astype(jnp.int32)
    )
    mesh = plsc.VectorSubcoreMesh(core_axis_name="c", subcore_axis_name="s")
    out = pl.kernel(
        _body,
        out_type=jax.ShapeDtypeStruct((N_FLAT, D_MODEL), jnp.float32),
        mesh=mesh,
        scratch_types=[
            pltpu.VMEM((PER_W,), jnp.int32),
            pltpu.VMEM((ROWS, D_MODEL), jnp.float32),
            pltpu.VMEM((ROWS, D_MODEL), jnp.float32),
            pltpu.VMEM((C_S, D_MODEL), jnp.float32),
            pltpu.VMEM((C_S, D_MODEL), jnp.float32),
            pltpu.SemaphoreType.DMA,
            pltpu.SemaphoreType.DMA,
            pltpu.SemaphoreType.DMA,
            pltpu.SemaphoreType.DMA,
            pltpu.SemaphoreType.DMA,
            pltpu.SemaphoreType.DMA,
        ],
    )(xr, table, pos)
    return out.reshape(B, S, D_MODEL)

# --- scband reference (transcript-rebuilt; emitter-appended) ---
"""Pipeline reference for scband-transformer-embedding-24936580120803 (READ-ONLY COPY).

The authoritative reference and input builder live on the scoring server;
editing this copy changes nothing except your own understanding.
"""

import jax, jax.numpy as jnp
import numpy as np

VOCAB = 100000
D_MODEL = 2048
MAX_LEN = 4096
B, S = 4, 2048


def _pos_encoding(max_len, d_model):
    pos = np.arange(max_len, dtype=np.float32)[:, None]
    _2i = np.arange(0, d_model, 2, dtype=np.float32)
    enc = np.zeros((max_len, d_model), dtype=np.float32)
    enc[:, 0::2] = np.sin(pos / np.power(10000.0, _2i / d_model))
    enc[:, 1::2] = np.cos(pos / np.power(10000.0, _2i / d_model))
    return jnp.asarray(enc)


def setup_inputs(seed: int = 0) -> dict:
    key = jax.random.key(seed)
    k1, k2 = jax.random.split(key)
    x = jax.random.randint(k1, (B, S), 0, VOCAB)
    table = jax.random.normal(k2, (VOCAB, D_MODEL), dtype=jnp.float32)
    table = table.at[1].set(0.0)  # padding_idx=1
    pos = _pos_encoding(MAX_LEN, D_MODEL)
    return {"x": x, "table": table, "pos": pos}


def reference(x, table, pos):
    # nn.Embedding with padding_idx=1: row 1 is zero
    t = table.at[1].set(0.0)
    token_emb = jnp.take(t, x, axis=0)            # [B, S, d_model]
    pos_emb = pos[: x.shape[1], :]                # [S, d_model]
    out = token_emb + pos_emb[None, :, :]
    # dropout with p=0.0 is identity
    return out

if __name__ == "__main__":
    import jax
    _d = setup_inputs()
    print(jax.jit(kernel)(*tuple(_d.values())))

</pallas_src>

<mosaic_0001>
#map = affine_map<(d0, d1) -> (0)>
#map1 = affine_map<(d0, d1) -> (0, 0)>
module attributes {stable_mosaic.version = 14 : i64} {
  func.func @_body(%arg0: i32, %arg1: i32, %arg2: memref<8192xi32, #tpu.memory_space<hbm>>, %arg3: memref<100000x2048xf32, #tpu.memory_space<hbm>>, %arg4: memref<4096x2048xf32, #tpu.memory_space<hbm>>, %arg5: memref<8192x2048xf32, #tpu.memory_space<hbm>>, %arg6: memref<256xi32, #tpu.memory_space<vmem>>, %arg7: memref<16x2048xf32, #tpu.memory_space<vmem>>, %arg8: memref<16x2048xf32, #tpu.memory_space<vmem>>, %arg9: memref<4x2048xf32, #tpu.memory_space<vmem>>, %arg10: memref<4x2048xf32, #tpu.memory_space<vmem>>, %arg11: memref<!tpu.dma_semaphore, #tpu.memory_space<semaphore_mem>>, %arg12: memref<!tpu.dma_semaphore, #tpu.memory_space<semaphore_mem>>, %arg13: memref<!tpu.dma_semaphore, #tpu.memory_space<semaphore_mem>>, %arg14: memref<!tpu.dma_semaphore, #tpu.memory_space<semaphore_mem>>, %arg15: memref<!tpu.dma_semaphore, #tpu.memory_space<semaphore_mem>>, %arg16: memref<!tpu.dma_semaphore, #tpu.memory_space<semaphore_mem>>) attributes {dimension_semantics = [#tpu.dimension_semantics<core_parallel>, #tpu.dimension_semantics<subcore_parallel>], iteration_bounds = array<i64: 2, 16>, scalar_prefetch = 0 : i64, scratch_operands = 11 : i64, tpu.core_type = #tpu.core_type<sc_vector_subcore>, window_params = [{transform_indices = #map}, {transform_indices = #map1}, {transform_indices = #map1}, {transform_indices = #map1}]} {
    %mul3A = arith.constant 2 : i32
    %mul3A_0 = arith.muli %arg1, %mul3A : i32
    %add3A = arith.addi %mul3A_0, %arg0 : i32
    %mul3A_1 = arith.constant 64 : i32
    %mul3A_2 = arith.muli %add3A, %mul3A_1 : i32
    %mul3A_3 = arith.constant 256 : i32
    %mul3A_4 = arith.muli %add3A, %mul3A_3 : i32
    "tpu.region"() ({
      %run_scoped3A = tpu.sem_alloc : memref<!tpu.dma_semaphore, #tpu.memory_space<semaphore_mem>>
      %dma_start3A_32 = tpu.memref_slice %arg2[%mul3A_4] : memref<8192xi32, #tpu.memory_space<hbm>> -> memref<256xi32, #tpu.memory_space<hbm>>
      %dma_start3A_33 = tpu.memref_slice %arg2[%mul3A_4] : memref<8192xi32, #tpu.memory_space<hbm>> -> memref<256xi32, #tpu.memory_space<hbm>>
      tpu.enqueue_dma source(%dma_start3A_33 : memref<256xi32, #tpu.memory_space<hbm>>) target(%arg6 : memref<256xi32, #tpu.memory_space<vmem>>) target_semaphore(%run_scoped3A : memref<!tpu.dma_semaphore, #tpu.memory_space<semaphore_mem>>)
      %dma_wait3A_34 = tpu.memref_slice %arg2[%mul3A_4] : memref<8192xi32, #tpu.memory_space<hbm>> -> memref<256xi32, #tpu.memory_space<hbm>>
      %dma_wait3A_35 = tpu.memref_slice %arg2[%mul3A_4] : memref<8192xi32, #tpu.memory_space<hbm>> -> memref<256xi32, #tpu.memory_space<hbm>>
      tpu.wait_dma2 semaphore(%run_scoped3A : memref<!tpu.dma_semaphore, #tpu.memory_space<semaphore_mem>>) src(%dma_wait3A_35 : memref<256xi32, #tpu.memory_space<hbm>>) dst(%arg6 : memref<256xi32, #tpu.memory_space<vmem>>)
      tpu.yield
    }) : () -> ()
    %dma_start3A = arith.constant 0 : i32
    %dma_start3A_5 = tpu.memref_slice %arg6[%dma_start3A] : memref<256xi32, #tpu.memory_space<vmem>> -> memref<16xi32, #tpu.memory_space<vmem>>
    %dma_start3A_6 = arith.constant 0 : i32
    %dma_start3A_7 = arith.constant 0 : i32
    %dma_start3A_8 = tpu.memref_slice %arg3[%dma_start3A_6, %dma_start3A_7] : memref<100000x2048xf32, #tpu.memory_space<hbm>> -> memref<100000x2048xf32, #tpu.memory_space<hbm>>
    tpu.enqueue_indirect_dma source(%dma_start3A_8 : memref<100000x2048xf32, #tpu.memory_space<hbm>>) target(%arg7 : memref<16x2048xf32, #tpu.memory_space<vmem>>) offsets(%dma_start3A_5 : memref<16xi32, #tpu.memory_space<vmem>>) semaphore(%arg11 : memref<!tpu.dma_semaphore, #tpu.memory_space<semaphore_mem>>)
    %add3A_9 = arith.constant 0 : i32
    %add3A_10 = arith.addi %mul3A_2, %add3A_9 : i32
    %dma_start3A_11 = arith.constant 0 : i32
    %dma_start3A_12 = tpu.memref_slice %arg4[%add3A_10, %dma_start3A_11] : memref<4096x2048xf32, #tpu.memory_space<hbm>> -> memref<4x2048xf32, #tpu.memory_space<hbm>>
    %dma_start3A_13 = arith.constant 0 : i32
    %dma_start3A_14 = tpu.memref_slice %arg4[%add3A_10, %dma_start3A_13] : memref<4096x2048xf32, #tpu.memory_space<hbm>> -> memref<4x2048xf32, #tpu.memory_space<hbm>>
    tpu.enqueue_dma source(%dma_start3A_14 : memref<4x2048xf32, #tpu.memory_space<hbm>>) target(%arg9 : memref<4x2048xf32, #tpu.memory_space<vmem>>) target_semaphore(%arg13 : memref<!tpu.dma_semaphore, #tpu.memory_space<semaphore_mem>>)
    %scan3A = arith.constant 0 : i32
    %scan3A_15 = arith.constant 0 : i32
    %scan3A_16 = arith.constant 8 : i32
    %scan3A_17 = arith.addi %scan3A_15, %scan3A_16 : i32
    %scan3A_18 = arith.constant 1 : i32
    %scan3A_19 = scf.for %scan3A_32 = %scan3A_15 to %scan3A_17 step %scan3A_18 iter_args(%scan3A_33 = %scan3A) -> (i32)  : i32 {
      %mul3A_34 = arith.constant 2 : i32
      %mul3A_35 = arith.muli %scan3A_32, %mul3A_34 : i32
      %add3A_36 = arith.constant 1 : i32
      %add3A_37 = arith.addi %mul3A_35, %add3A_36 : i32
      %lt3A = arith.constant 16 : i32
      %lt3A_38 = arith.cmpi slt, %add3A_37, %lt3A : i32
      %convert_element_type3A = arith.extui %lt3A_38 : i1 to i32
      %cond3A = arith.constant 0 : i32
      %cond3A_39 = arith.cmpi ne, %convert_element_type3A, %cond3A : i32
      scf.if %cond3A_39 {
        %ge3A = arith.constant 1 : i32
        %ge3A_210 = arith.cmpi sge, %mul3A_35, %ge3A : i32
        %convert_element_type3A_211 = arith.extui %ge3A_210 : i1 to i32
        %cond3A_212 = arith.constant 0 : i32
        %cond3A_213 = arith.cmpi ne, %convert_element_type3A_211, %cond3A_212 : i32
        scf.if %cond3A_213 {
          %dma_wait3A_229 = arith.constant 0 : i32
          %dma_wait3A_230 = arith.constant 0 : i32
          %dma_wait3A_231 = tpu.memref_slice %arg5[%dma_wait3A_229, %dma_wait3A_230] : memref<8192x2048xf32, #tpu.memory_space<hbm>> -> memref<16x2048xf32, #tpu.memory_space<hbm>>
          %dma_wait3A_232 = arith.constant 0 : i32
          %dma_wait3A_233 = arith.constant 0 : i32
          %dma_wait3A_234 = tpu.memref_slice %arg5[%dma_wait3A_232, %dma_wait3A_233] : memref<8192x2048xf32, #tpu.memory_space<hbm>> -> memref<16x2048xf32, #tpu.memory_space<hbm>>
          tpu.wait_dma2 semaphore(%arg16 : memref<!tpu.dma_semaphore, #tpu.memory_space<semaphore_mem>>) src(%arg8 : memref<16x2048xf32, #tpu.memory_space<vmem>>) dst(%dma_wait3A_234 : memref<16x2048xf32, #tpu.memory_space<hbm>>)
        } else {
        }
        %add3A_214 = arith.constant 1 : i32
        %add3A_215 = arith.addi %mul3A_35, %add3A_214 : i32
        %mul3A_216 = arith.constant 16 : i32
        %mul3A_217 = arith.muli %add3A_215, %mul3A_216 : i32
        %dma_start3A_218 = tpu.memref_slice %arg6[%mul3A_217] : memref<256xi32, #tpu.memory_space<vmem>> -> memref<16xi32, #tpu.memory_space<vmem>>
        %dma_start3A_219 = arith.constant 0 : i32
        %dma_start3A_220 = arith.constant 0 : i32
        %dma_start3A_221 = tpu.memref_slice %arg3[%dma_start3A_219, %dma_start3A_220] : memref<100000x2048xf32, #tpu.memory_space<hbm>> -> memref<100000x2048xf32, #tpu.memory_space<hbm>>
        tpu.enqueue_indirect_dma source(%dma_start3A_221 : memref<100000x2048xf32, #tpu.memory_space<hbm>>) target(%arg8 : memref<16x2048xf32, #tpu.memory_space<vmem>>) offsets(%dma_start3A_218 : memref<16xi32, #tpu.memory_space<vmem>>) semaphore(%arg12 : memref<!tpu.dma_semaphore, #tpu.memory_space<semaphore_mem>>)
        %mul3A_222 = arith.constant 4 : i32
        %mul3A_223 = arith.muli %add3A_215, %mul3A_222 : i32
        %add3A_224 = arith.addi %mul3A_2, %mul3A_223 : i32
        %dma_start3A_225 = arith.constant 0 : i32
        %dma_start3A_226 = tpu.memref_slice %arg4[%add3A_224, %dma_start3A_225] : memref<4096x2048xf32, #tpu.memory_space<hbm>> -> memref<4x2048xf32, #tpu.memory_space<hbm>>
        %dma_start3A_227 = arith.constant 0 : i32
        %dma_start3A_228 = tpu.memref_slice %arg4[%add3A_224, %dma_start3A_227] : memref<4096x2048xf32, #tpu.memory_space<hbm>> -> memref<4x2048xf32, #tpu.memory_space<hbm>>
        tpu.enqueue_dma source(%dma_start3A_228 : memref<4x2048xf32, #tpu.memory_space<hbm>>) target(%arg10 : memref<4x2048xf32, #tpu.memory_space<vmem>>) target_semaphore(%arg14 : memref<!tpu.dma_semaphore, #tpu.memory_space<semaphore_mem>>)
      } else {
      }
      %dma_wait3A_40 = arith.constant 0 : i32
      %dma_wait3A_41 = arith.constant 0 : i32
      %dma_wait3A_42 = tpu.memref_slice %arg3[%dma_wait3A_40, %dma_wait3A_41] : memref<100000x2048xf32, #tpu.memory_space<hbm>> -> memref<16x2048xf32, #tpu.memory_space<hbm>>
      %dma_wait3A_43 = arith.constant 0 : i32
      %dma_wait3A_44 = arith.constant 0 : i32
      %dma_wait3A_45 = tpu.memref_slice %arg3[%dma_wait3A_43, %dma_wait3A_44] : memref<100000x2048xf32, #tpu.memory_space<hbm>> -> memref<16x2048xf32, #tpu.memory_space<hbm>>
      tpu.wait_dma2 semaphore(%arg11 : memref<!tpu.dma_semaphore, #tpu.memory_space<semaphore_mem>>) src(%dma_wait3A_45 : memref<16x2048xf32, #tpu.memory_space<hbm>>) dst(%arg7 : memref<16x2048xf32, #tpu.memory_space<vmem>>)
      %dma_wait3A_46 = arith.constant 0 : i32
      %dma_wait3A_47 = arith.constant 0 : i32
      %dma_wait3A_48 = tpu.memref_slice %arg4[%dma_wait3A_46, %dma_wait3A_47] : memref<4096x2048xf32, #tpu.memory_space<hbm>> -> memref<4x2048xf32, #tpu.memory_space<hbm>>
      %dma_wait3A_49 = arith.constant 0 : i32
      %dma_wait3A_50 = arith.constant 0 : i32
      %dma_wait3A_51 = tpu.memref_slice %arg4[%dma_wait3A_49, %dma_wait3A_50] : memref<4096x2048xf32, #tpu.memory_space<hbm>> -> memref<4x2048xf32, #tpu.memory_space<hbm>>
      tpu.wait_dma2 semaphore(%arg13 : memref<!tpu.dma_semaphore, #tpu.memory_space<semaphore_mem>>) src(%dma_wait3A_51 : memref<4x2048xf32, #tpu.memory_space<hbm>>) dst(%arg9 : memref<4x2048xf32, #tpu.memory_space<vmem>>)
      %scan3A_52 = arith.constant 0 : i32
      %scan3A_53 = arith.constant 0 : i32
      %scan3A_54 = arith.constant 128 : i32
      %scan3A_55 = arith.addi %scan3A_53, %scan3A_54 : i32
      %scan3A_56 = arith.constant 1 : i32
      %scan3A_57 = scf.for %scan3A_210 = %scan3A_53 to %scan3A_55 step %scan3A_56 iter_args(%scan3A_211 = %scan3A_52) -> (i32)  : i32 {
        %mul3A_212 = arith.constant 16 : i32
        %mul3A_213 = arith.muli %scan3A_210, %mul3A_212 : i32
        %get3A = arith.constant 0 : i32
        %get3A_214 = arith.index_cast %get3A : i32 to index
        %get3A_215 = arith.index_cast %mul3A_213 : i32 to index
        %get3A_216 = tpu.vector_load %arg9[%get3A_214, %get3A_215] {strides = array<i32>} : memref<4x2048xf32, #tpu.memory_space<vmem>>, vector<1x16xf32>,
        %get3A_217 = vector.shape_cast %get3A_216 : vector<1x16xf32> to vector<16xf32>
        %get3A_218 = arith.constant 0 : i32
        %get3A_219 = arith.index_cast %get3A_218 : i32 to index
        %get3A_220 = arith.index_cast %mul3A_213 : i32 to index
        %get3A_221 = tpu.vector_load %arg7[%get3A_219, %get3A_220] {strides = array<i32>} : memref<16x2048xf32, #tpu.memory_space<vmem>>, vector<1x16xf32>,
        %get3A_222 = vector.shape_cast %get3A_221 : vector<1x16xf32> to vector<16xf32>
        %add3A_223 = arith.addf %get3A_222, %get3A_217 : vector<16xf32>
        %swap3A = arith.constant 0 : i32
        %swap3A_224 = arith.index_cast %swap3A : i32 to index
        %swap3A_225 = arith.index_cast %mul3A_213 : i32 to index
        %swap3A_226 = tpu.vector_load %arg7[%swap3A_224, %swap3A_225] {strides = array<i32>} : memref<16x2048xf32, #tpu.memory_space<vmem>>, vector<1x16xf32>,
        %swap3A_227 = vector.shape_cast %swap3A_226 : vector<1x16xf32> to vector<16xf32>
        %swap3A_228 = vector.shape_cast %add3A_223 : vector<16xf32> to vector<1x16xf32>
        tpu.vector_store %arg7[%swap3A_224, %swap3A_225], %swap3A_228 {strides = array<i32>} : memref<16x2048xf32, #tpu.memory_space<vmem>>, vector<1x16xf32>,
        %get3A_229 = arith.constant 4 : i32
        %get3A_230 = arith.index_cast %get3A_229 : i32 to index
        %get3A_231 = arith.index_cast %mul3A_213 : i32 to index
        %get3A_232 = tpu.vector_load %arg7[%get3A_230, %get3A_231] {strides = array<i32>} : memref<16x2048xf32, #tpu.memory_space<vmem>>, vector<1x16xf32>,
        %get3A_233 = vector.shape_cast %get3A_232 : vector<1x16xf32> to vector<16xf32>
        %add3A_234 = arith.addf %get3A_233, %get3A_217 : vector<16xf32>
        %swap3A_235 = arith.constant 4 : i32
        %swap3A_236 = arith.index_cast %swap3A_235 : i32 to index
        %swap3A_237 = arith.index_cast %mul3A_213 : i32 to index
        %swap3A_238 = tpu.vector_load %arg7[%swap3A_236, %swap3A_237] {strides = array<i32>} : memref<16x2048xf32, #tpu.memory_space<vmem>>, vector<1x16xf32>,
        %swap3A_239 = vector.shape_cast %swap3A_238 : vector<1x16xf32> to vector<16xf32>
        %swap3A_240 = vector.shape_cast %add3A_234 : vector<16xf32> to vector<1x16xf32>
        tpu.vector_store %arg7[%swap3A_236, %swap3A_237], %swap3A_240 {strides = array<i32>} : memref<16x2048xf32, #tpu.memory_space<vmem>>, vector<1x16xf32>,
        %get3A_241 = arith.constant 8 : i32
        %get3A_242 = arith.index_cast %get3A_241 : i32 to index
        %get3A_243 = arith.index_cast %mul3A_213 : i32 to index
        %get3A_244 = tpu.vector_load %arg7[%get3A_242, %get3A_243] {strides = array<i32>} : memref<16x2048xf32, #tpu.memory_space<vmem>>, vector<1x16xf32>,
        %get3A_245 = vector.shape_cast %get3A_244 : vector<1x16xf32> to vector<16xf32>
        %add3A_246 = arith.addf %get3A_245, %get3A_217 : vector<16xf32>
        %swap3A_247 = arith.constant 8 : i32
        %swap3A_248 = arith.index_cast %swap3A_247 : i32 to index
        %swap3A_249 = arith.index_cast %mul3A_213 : i32 to index
        %swap3A_250 = tpu.vector_load %arg7[%swap3A_248, %swap3A_249] {strides = array<i32>} : memref<16x2048xf32, #tpu.memory_space<vmem>>, vector<1x16xf32>,
        %swap3A_251 = vector.shape_cast %swap3A_250 : vector<1x16xf32> to vector<16xf32>
        %swap3A_252 = vector.shape_cast %add3A_246 : vector<16xf32> to vector<1x16xf32>
        tpu.vector_store %arg7[%swap3A_248, %swap3A_249], %swap3A_252 {strides = array<i32>} : memref<16x2048xf32, #tpu.memory_space<vmem>>, vector<1x16xf32>,
        %get3A_253 = arith.constant 12 : i32
        %get3A_254 = arith.index_cast %get3A_253 : i32 to index
        %get3A_255 = arith.index_cast %mul3A_213 : i32 to index
        %get3A_256 = tpu.vector_load %arg7[%get3A_254, %get3A_255] {strides = array<i32>} : memref<16x2048xf32, #tpu.memory_space<vmem>>, vector<1x16xf32>,
        %get3A_257 = vector.shape_cast %get3A_256 : vector<1x16xf32> to vector<16xf32>
        %add3A_258 = arith.addf %get3A_257, %get3A_217 : vector<16xf32>
        %swap3A_259 = arith.constant 12 : i32
        %swap3A_260 = arith.index_cast %swap3A_259 : i32 to index
        %swap3A_261 = arith.index_cast %mul3A_213 : i32 to index
        %swap3A_262 = tpu.vector_load %arg7[%swap3A_260, %swap3A_261] {strides = array<i32>} : memref<16x2048xf32, #tpu.memory_space<vmem>>, vector<1x16xf32>,
        %swap3A_263 = vector.shape_cast %swap3A_262 : vector<1x16xf32> to vector<16xf32>
        %swap3A_264 = vector.shape_cast %add3A_258 : vector<16xf32> to vector<1x16xf32>
        tpu.vector_store %arg7[%swap3A_260, %swap3A_261], %swap3A_264 {strides = array<i32>} : memref<16x2048xf32, #tpu.memory_space<vmem>>, vector<1x16xf32>,
        %get3A_265 = arith.constant 1 : i32
        %get3A_266 = arith.index_cast %get3A_265 : i32 to index
        %get3A_267 = arith.index_cast %mul3A_213 : i32 to index
        %get3A_268 = tpu.vector_load %arg9[%get3A_266, %get3A_267] {strides = array<i32>} : memref<4x2048xf32, #tpu.memory_space<vmem>>, vector<1x16xf32>,
        %get3A_269 = vector.shape_cast %get3A_268 : vector<1x16xf32> to vector<16xf32>
        %get3A_270 = arith.constant 1 : i32
        %get3A_271 = arith.index_cast %get3A_270 : i32 to index
        %get3A_272 = arith.index_cast %mul3A_213 : i32 to index
        %get3A_273 = tpu.vector_load %arg7[%get3A_271, %get3A_272] {strides = array<i32>} : memref<16x2048xf32, #tpu.memory_space<vmem>>, vector<1x16xf32>,
        %get3A_274 = vector.shape_cast %get3A_273 : vector<1x16xf32> to vector<16xf32>
        %add3A_275 = arith.addf %get3A_274, %get3A_269 : vector<16xf32>
        %swap3A_276 = arith.constant 1 : i32
        %swap3A_277 = arith.index_cast %swap3A_276 : i32 to index
        %swap3A_278 = arith.index_cast %mul3A_213 : i32 to index
        %swap3A_279 = tpu.vector_load %arg7[%swap3A_277, %swap3A_278] {strides = array<i32>} : memref<16x2048xf32, #tpu.memory_space<vmem>>, vector<1x16xf32>,
        %swap3A_280 = vector.shape_cast %swap3A_279 : vector<1x16xf32> to vector<16xf32>
        %swap3A_281 = vector.shape_cast %add3A_275 : vector<16xf32> to vector<1x16xf32>
        tpu.vector_store %arg7[%swap3A_277, %swap3A_278], %swap3A_281 {strides = array<i32>} : memref<16x2048xf32, #tpu.memory_space<vmem>>, vector<1x16xf32>,
        %get3A_282 = arith.constant 5 : i32
        %get3A_283 = arith.index_cast %get3A_282 : i32 to index
        %get3A_284 = arith.index_cast %mul3A_213 : i32 to index
        %get3A_285 = tpu.vector_load %arg7[%get3A_283, %get3A_284] {strides = array<i32>} : memref<16x2048xf32, #tpu.memory_space<vmem>>, vector<1x16xf32>,
        %get3A_286 = vector.shape_cast %get3A_285 : vector<1x16xf32> to vector<16xf32>
        %add3A_287 = arith.addf %get3A_286, %get3A_269 : vector<16xf32>
        %swap3A_288 = arith.constant 5 : i32
        %swap3A_289 = arith.index_cast %swap3A_288 : i32 to index
        %swap3A_290 = arith.index_cast %mul3A_213 : i32 to index
        %swap3A_291 = tpu.vector_load %arg7[%swap3A_289, %swap3A_290] {strides = array<i32>} : memref<16x2048xf32, #tpu.memory_space<vmem>>, vector<1x16xf32>,
        %swap3A_292 = vector.shape_cast %swap3A_291 : vector<1x16xf32> to vector<16xf32>
        %swap3A_293 = vector.shape_cast %add3A_287 : vector<16xf32> to vector<1x16xf32>
        tpu.vector_store %arg7[%swap3A_289, %swap3A_290], %swap3A_293 {strides = array<i32>} : memref<16x2048xf32, #tpu.memory_space<vmem>>, vector<1x16xf32>,
        %get3A_294 = arith.constant 9 : i32
        %get3A_295 = arith.index_cast %get3A_294 : i32 to index
        %get3A_296 = arith.index_cast %mul3A_213 : i32 to index
        %get3A_297 = tpu.vector_load %arg7[%get3A_295, %get3A_296] {strides = array<i32>} : memref<16x2048xf32, #tpu.memory_space<vmem>>, vector<1x16xf32>,
        %get3A_298 = vector.shape_cast %get3A_297 : vector<1x16xf32> to vector<16xf32>
        %add3A_299 = arith.addf %get3A_298, %get3A_269 : vector<16xf32>
        %swap3A_300 = arith.constant 9 : i32
        %swap3A_301 = arith.index_cast %swap3A_300 : i32 to index
        %swap3A_302 = arith.index_cast %mul3A_213 : i32 to index
        %swap3A_303 = tpu.vector_load %arg7[%swap3A_301, %swap3A_302] {strides = array<i32>} : memref<16x2048xf32, #tpu.memory_space<vmem>>, vector<1x16xf32>,
        %swap3A_304 = vector.shape_cast %swap3A_303 : vector<1x16xf32> to vector<16xf32>
        %swap3A_305 = vector.shape_cast %add3A_299 : vector<16xf32> to vector<1x16xf32>
        tpu.vector_store %arg7[%swap3A_301, %swap3A_302], %swap3A_305 {strides = array<i32>} : memref<16x2048xf32, #tpu.memory_space<vmem>>, vector<1x16xf32>,
        %get3A_306 = arith.constant 13 : i32
        %get3A_307 = arith.index_cast %get3A_306 : i32 to index
        %get3A_308 = arith.index_cast %mul3A_213 : i32 to index
        %get3A_309 = tpu.vector_load %arg7[%get3A_307, %get3A_308] {strides = array<i32>} : memref<16x2048xf32, #tpu.memory_space<vmem>>, vector<1x16xf32>,
        %get3A_310 = vector.shape_cast %get3A_309 : vector<1x16xf32> to vector<16xf32>
        %add3A_311 = arith.addf %get3A_310, %get3A_269 : vector<16xf32>
        %swap3A_312 = arith.constant 13 : i32
        %swap3A_313 = arith.index_cast %swap3A_312 : i32 to index
        %swap3A_314 = arith.index_cast %mul3A_213 : i32 to index
        %swap3A_315 = tpu.vector_load %arg7[%swap3A_313, %swap3A_314] {strides = array<i32>} : memref<16x2048xf32, #tpu.memory_space<vmem>>, vector<1x16xf32>,
        %swap3A_316 = vector.shape_cast %swap3A_315 : vector<1x16xf32> to vector<16xf32>
        %swap3A_317 = vector.shape_cast %add3A_311 : vector<16xf32> to vector<1x16xf32>
        tpu.vector_store %arg7[%swap3A_313, %swap3A_314], %swap3A_317 {strides = array<i32>} : memref<16x2048xf32, #tpu.memory_space<vmem>>, vector<1x16xf32>,
        %get3A_318 = arith.constant 2 : i32
        %get3A_319 = arith.index_cast %get3A_318 : i32 to index
        %get3A_320 = arith.index_cast %mul3A_213 : i32 to index
        %get3A_321 = tpu.vector_load %arg9[%get3A_319, %get3A_320] {strides = array<i32>} : memref<4x2048xf32, #tpu.memory_space<vmem>>, vector<1x16xf32>,
        %get3A_322 = vector.shape_cast %get3A_321 : vector<1x16xf32> to vector<16xf32>
        %get3A_323 = arith.constant 2 : i32
        %get3A_324 = arith.index_cast %get3A_323 : i32 to index
        %get3A_325 = arith.index_cast %mul3A_213 : i32 to index
        %get3A_326 = tpu.vector_load %arg7[%get3A_324, %get3A_325] {strides = array<i32>} : memref<16x2048xf32, #tpu.memory_space<vmem>>, vector<1x16xf32>,
        %get3A_327 = vector.shape_cast %get3A_326 : vector<1x16xf32> to vector<16xf32>
        %add3A_328 = arith.addf %get3A_327, %get3A_322 : vector<16xf32>
        %swap3A_329 = arith.constant 2 : i32
        %swap3A_330 = arith.index_cast %swap3A_329 : i32 to index
        %swap3A_331 = arith.index_cast %mul3A_213 : i32 to index
        %swap3A_332 = tpu.vector_load %arg7[%swap3A_330, %swap3A_331] {strides = array<i32>} : memref<16x2048xf32, #tpu.memory_space<vmem>>, vector<1x16xf32>,
        %swap3A_333 = vector.shape_cast %swap3A_332 : vector<1x16xf32> to vector<16xf32>
        %swap3A_334 = vector.shape_cast %add3A_328 : vector<16xf32> to vector<1x16xf32>
        tpu.vector_store %arg7[%swap3A_330, %swap3A_331], %swap3A_334 {strides = array<i32>} : memref<16x2048xf32, #tpu.memory_space<vmem>>, vector<1x16xf32>,
        %get3A_335 = arith.constant 6 : i32
        %get3A_336 = arith.index_cast %get3A_335 : i32 to index
        %get3A_337 = arith.index_cast %mul3A_213 : i32 to index
        %get3A_338 = tpu.vector_load %arg7[%get3A_336, %get3A_337] {strides = array<i32>} : memref<16x2048xf32, #tpu.memory_space<vmem>>, vector<1x16xf32>,
        %get3A_339 = vector.shape_cast %get3A_338 : vector<1x16xf32> to vector<16xf32>
        %add3A_340 = arith.addf %get3A_339, %get3A_322 : vector<16xf32>
        %swap3A_341 = arith.constant 6 : i32
        %swap3A_342 = arith.index_cast %swap3A_341 : i32 to index
        %swap3A_343 = arith.index_cast %mul3A_213 : i32 to index
        %swap3A_344 = tpu.vector_load %arg7[%swap3A_342, %swap3A_343] {strides = array<i32>} : memref<16x2048xf32, #tpu.memory_space<vmem>>, vector<1x16xf32>,
        %swap3A_345 = vector.shape_cast %swap3A_344 : vector<1x16xf32> to vector<16xf32>
        %swap3A_346 = vector.shape_cast %add3A_340 : vector<16xf32> to vector<1x16xf32>
        tpu.vector_store %arg7[%swap3A_342, %swap3A_343], %swap3A_346 {strides = array<i32>} : memref<16x2048xf32, #tpu.memory_space<vmem>>, vector<1x16xf32>,
        %get3A_347 = arith.constant 10 : i32
        %get3A_348 = arith.index_cast %get3A_347 : i32 to index
        %get3A_349 = arith.index_cast %mul3A_213 : i32 to index
        %get3A_350 = tpu.vector_load %arg7[%get3A_348, %get3A_349] {strides = array<i32>} : memref<16x2048xf32, #tpu.memory_space<vmem>>, vector<1x16xf32>,
        %get3A_351 = vector.shape_cast %get3A_350 : vector<1x16xf32> to vector<16xf32>
        %add3A_352 = arith.addf %get3A_351, %get3A_322 : vector<16xf32>
        %swap3A_353 = arith.constant 10 : i32
        %swap3A_354 = arith.index_cast %swap3A_353 : i32 to index
        %swap3A_355 = arith.index_cast %mul3A_213 : i32 to index
        %swap3A_356 = tpu.vector_load %arg7[%swap3A_354, %swap3A_355] {strides = array<i32>} : memref<16x2048xf32, #tpu.memory_space<vmem>>, vector<1x16xf32>,
        %swap3A_357 = vector.shape_cast %swap3A_356 : vector<1x16xf32> to vector<16xf32>
        %swap3A_358 = vector.shape_cast %add3A_352 : vector<16xf32> to vector<1x16xf32>
        tpu.vector_store %arg7[%swap3A_354, %swap3A_355], %swap3A_358 {strides = array<i32>} : memref<16x2048xf32, #tpu.memory_space<vmem>>, vector<1x16xf32>,
        %get3A_359 = arith.constant 14 : i32
        %get3A_360 = arith.index_cast %get3A_359 : i32 to index
        %get3A_361 = arith.index_cast %mul3A_213 : i32 to index
        %get3A_362 = tpu.vector_load %arg7[%get3A_360, %get3A_361] {strides = array<i32>} : memref<16x2048xf32, #tpu.memory_space<vmem>>, vector<1x16xf32>,
        %get3A_363 = vector.shape_cast %get3A_362 : vector<1x16xf32> to vector<16xf32>
        %add3A_364 = arith.addf %get3A_363, %get3A_322 : vector<16xf32>
        %swap3A_365 = arith.constant 14 : i32
        %swap3A_366 = arith.index_cast %swap3A_365 : i32 to index
        %swap3A_367 = arith.index_cast %mul3A_213 : i32 to index
        %swap3A_368 = tpu.vector_load %arg7[%swap3A_366, %swap3A_367] {strides = array<i32>} : memref<16x2048xf32, #tpu.memory_space<vmem>>, vector<1x16xf32>,
        %swap3A_369 = vector.shape_cast %swap3A_368 : vector<1x16xf32> to vector<16xf32>
        %swap3A_370 = vector.shape_cast %add3A_364 : vector<16xf32> to vector<1x16xf32>
        tpu.vector_store %arg7[%swap3A_366, %swap3A_367], %swap3A_370 {strides = array<i32>} : memref<16x2048xf32, #tpu.memory_space<vmem>>, vector<1x16xf32>,
        %get3A_371 = arith.constant 3 : i32
        %get3A_372 = arith.index_cast %get3A_371 : i32 to index
        %get3A_373 = arith.index_cast %mul3A_213 : i32 to index
        %get3A_374 = tpu.vector_load %arg9[%get3A_372, %get3A_373] {strides = array<i32>} : memref<4x2048xf32, #tpu.memory_space<vmem>>, vector<1x16xf32>,
        %get3A_375 = vector.shape_cast %get3A_374 : vector<1x16xf32> to vector<16xf32>
        %get3A_376 = arith.constant 3 : i32
        %get3A_377 = arith.index_cast %get3A_376 : i32 to index
        %get3A_378 = arith.index_cast %mul3A_213 : i32 to index
        %get3A_379 = tpu.vector_load %arg7[%get3A_377, %get3A_378] {strides = array<i32>} : memref<16x2048xf32, #tpu.memory_space<vmem>>, vector<1x16xf32>,
        %get3A_380 = vector.shape_cast %get3A_379 : vector<1x16xf32> to vector<16xf32>
        %add3A_381 = arith.addf %get3A_380, %get3A_375 : vector<16xf32>
        %swap3A_382 = arith.constant 3 : i32
        %swap3A_383 = arith.index_cast %swap3A_382 : i32 to index
        %swap3A_384 = arith.index_cast %mul3A_213 : i32 to index
        %swap3A_385 = tpu.vector_load %arg7[%swap3A_383, %swap3A_384] {strides = array<i32>} : memref<16x2048xf32, #tpu.memory_space<vmem>>, vector<1x16xf32>,
        %swap3A_386 = vector.shape_cast %swap3A_385 : vector<1x16xf32> to vector<16xf32>
        %swap3A_387 = vector.shape_cast %add3A_381 : vector<16xf32> to vector<1x16xf32>
        tpu.vector_store %arg7[%swap3A_383, %swap3A_384], %swap3A_387 {strides = array<i32>} : memref<16x2048xf32, #tpu.memory_space<vmem>>, vector<1x16xf32>,
        %get3A_388 = arith.constant 7 : i32
        %get3A_389 = arith.index_cast %get3A_388 : i32 to index
        %get3A_390 = arith.index_cast %mul3A_213 : i32 to index
        %get3A_391 = tpu.vector_load %arg7[%get3A_389, %get3A_390] {strides = array<i32>} : memref<16x2048xf32, #tpu.memory_space<vmem>>, vector<1x16xf32>,
        %get3A_392 = vector.shape_cast %get3A_391 : vector<1x16xf32> to vector<16xf32>
        %add3A_393 = arith.addf %get3A_392, %get3A_375 : vector<16xf32>
        %swap3A_394 = arith.constant 7 : i32
        %swap3A_395 = arith.index_cast %swap3A_394 : i32 to index
        %swap3A_396 = arith.index_cast %mul3A_213 : i32 to index
        %swap3A_397 = tpu.vector_load %arg7[%swap3A_395, %swap3A_396] {strides = array<i32>} : memref<16x2048xf32, #tpu.memory_space<vmem>>, vector<1x16xf32>,
        %swap3A_398 = vector.shape_cast %swap3A_397 : vector<1x16xf32> to vector<16xf32>
        %swap3A_399 = vector.shape_cast %add3A_393 : vector<16xf32> to vector<1x16xf32>
        tpu.vector_store %arg7[%swap3A_395, %swap3A_396], %swap3A_399 {strides = array<i32>} : memref<16x2048xf32, #tpu.memory_space<vmem>>, vector<1x16xf32>,
        %get3A_400 = arith.constant 11 : i32
        %get3A_401 = arith.index_cast %get3A_400 : i32 to index
        %get3A_402 = arith.index_cast %mul3A_213 : i32 to index
        %get3A_403 = tpu.vector_load %arg7[%get3A_401, %get3A_402] {strides = array<i32>} : memref<16x2048xf32, #tpu.memory_space<vmem>>, vector<1x16xf32>,
        %get3A_404 = vector.shape_cast %get3A_403 : vector<1x16xf32> to vector<16xf32>
        %add3A_405 = arith.addf %get3A_404, %get3A_375 : vector<16xf32>
        %swap3A_406 = arith.constant 11 : i32
        %swap3A_407 = arith.index_cast %swap3A_406 : i32 to index
        %swap3A_408 = arith.index_cast %mul3A_213 : i32 to index
        %swap3A_409 = tpu.vector_load %arg7[%swap3A_407, %swap3A_408] {strides = array<i32>} : memref<16x2048xf32, #tpu.memory_space<vmem>>, vector<1x16xf32>,
        %swap3A_410 = vector.shape_cast %swap3A_409 : vector<1x16xf32> to vector<16xf32>
        %swap3A_411 = vector.shape_cast %add3A_405 : vector<16xf32> to vector<1x16xf32>
        tpu.vector_store %arg7[%swap3A_407, %swap3A_408], %swap3A_411 {strides = array<i32>} : memref<16x2048xf32, #tpu.memory_space<vmem>>, vector<1x16xf32>,
        %get3A_412 = arith.constant 15 : i32
        %get3A_413 = arith.index_cast %get3A_412 : i32 to index
        %get3A_414 = arith.index_cast %mul3A_213 : i32 to index
        %get3A_415 = tpu.vector_load %arg7[%get3A_413, %get3A_414] {strides = array<i32>} : memref<16x2048xf32, #tpu.memory_space<vmem>>, vector<1x16xf32>,
        %get3A_416 = vector.shape_cast %get3A_415 : vector<1x16xf32> to vector<16xf32>
        %add3A_417 = arith.addf %get3A_416, %get3A_375 : vector<16xf32>
        %swap3A_418 = arith.constant 15 : i32
        %swap3A_419 = arith.index_cast %swap3A_418 : i32 to index
        %swap3A_420 = arith.index_cast %mul3A_213 : i32 to index
        %swap3A_421 = tpu.vector_load %arg7[%swap3A_419, %swap3A_420] {strides = array<i32>} : memref<16x2048xf32, #tpu.memory_space<vmem>>, vector<1x16xf32>,
        %swap3A_422 = vector.shape_cast %swap3A_421 : vector<1x16xf32> to vector<16xf32>
        %swap3A_423 = vector.shape_cast %add3A_417 : vector<16xf32> to vector<1x16xf32>
        tpu.vector_store %arg7[%swap3A_419, %swap3A_420], %swap3A_423 {strides = array<i32>} : memref<16x2048xf32, #tpu.memory_space<vmem>>, vector<1x16xf32>,
        %scan3A_424 = arith.constant 0 : i32
        scf.yield %scan3A_424 : i32
      }
      %scan3A_58 = arith.constant 128 : i32
      %add3A_59 = arith.constant 0 : i32
      %add3A_60 = arith.addi %add3A_59, %mul3A_2 : i32
      %mul3A_61 = arith.constant 4 : i32
      %mul3A_62 = arith.muli %mul3A_35, %mul3A_61 : i32
      %add3A_63 = arith.addi %add3A_60, %mul3A_62 : i32
      %dma_start3A_64 = arith.constant 0 : i32
      %dma_start3A_65 = arith.constant 0 : i32
      %dma_start3A_66 = tpu.memref_slice %arg7[%dma_start3A_64, %dma_start3A_65] : memref<16x2048xf32, #tpu.memory_space<vmem>> -> memref<4x2048xf32, #tpu.memory_space<vmem>>
      %dma_start3A_67 = arith.constant 0 : i32
      %dma_start3A_68 = tpu.memref_slice %arg5[%add3A_63, %dma_start3A_67] : memref<8192x2048xf32, #tpu.memory_space<hbm>> -> memref<4x2048xf32, #tpu.memory_space<hbm>>
      %dma_start3A_69 = arith.constant 0 : i32
      %dma_start3A_70 = tpu.memref_slice %arg5[%add3A_63, %dma_start3A_69] : memref<8192x2048xf32, #tpu.memory_space<hbm>> -> memref<4x2048xf32, #tpu.memory_space<hbm>>
      %dma_start3A_71 = arith.constant 0 : i32
      %dma_start3A_72 = arith.constant 0 : i32
      %dma_start3A_73 = tpu.memref_slice %arg7[%dma_start3A_71, %dma_start3A_72] : memref<16x2048xf32, #tpu.memory_space<vmem>> -> memref<4x2048xf32, #tpu.memory_space<vmem>>
      tpu.enqueue_dma source(%dma_start3A_73 : memref<4x2048xf32, #tpu.memory_space<vmem>>) target(%dma_start3A_70 : memref<4x2048xf32, #tpu.memory_space<hbm>>) target_semaphore(%arg15 : memref<!tpu.dma_semaphore, #tpu.memory_space<semaphore_mem>>)
      %add3A_74 = arith.constant 2048 : i32
      %add3A_75 = arith.addi %add3A_74, %mul3A_2 : i32
      %mul3A_76 = arith.constant 4 : i32
      %mul3A_77 = arith.muli %mul3A_35, %mul3A_76 : i32
      %add3A_78 = arith.addi %add3A_75, %mul3A_77 : i32
      %dma_start3A_79 = arith.constant 4 : i32
      %dma_start3A_80 = arith.constant 0 : i32
      %dma_start3A_81 = tpu.memref_slice %arg7[%dma_start3A_79, %dma_start3A_80] : memref<16x2048xf32, #tpu.memory_space<vmem>> -> memref<4x2048xf32, #tpu.memory_space<vmem>>
      %dma_start3A_82 = arith.constant 0 : i32
      %dma_start3A_83 = tpu.memref_slice %arg5[%add3A_78, %dma_start3A_82] : memref<8192x2048xf32, #tpu.memory_space<hbm>> -> memref<4x2048xf32, #tpu.memory_space<hbm>>
      %dma_start3A_84 = arith.constant 0 : i32
      %dma_start3A_85 = tpu.memref_slice %arg5[%add3A_78, %dma_start3A_84] : memref<8192x2048xf32, #tpu.memory_space<hbm>> -> memref<4x2048xf32, #tpu.memory_space<hbm>>
      %dma_start3A_86 = arith.constant 4 : i32
      %dma_start3A_87 = arith.constant 0 : i32
      %dma_start3A_88 = tpu.memref_slice %arg7[%dma_start3A_86, %dma_start3A_87] : memref<16x2048xf32, #tpu.memory_space<vmem>> -> memref<4x2048xf32, #tpu.memory_space<vmem>>
      tpu.enqueue_dma source(%dma_start3A_88 : memref<4x2048xf32, #tpu.memory_space<vmem>>) target(%dma_start3A_85 : memref<4x2048xf32, #tpu.memory_space<hbm>>) target_semaphore(%arg15 : memref<!tpu.dma_semaphore, #tpu.memory_space<semaphore_mem>>)
      %add3A_89 = arith.constant 4096 : i32
      %add3A_90 = arith.addi %add3A_89, %mul3A_2 : i32
      %mul3A_91 = arith.constant 4 : i32
      %mul3A_92 = arith.muli %mul3A_35, %mul3A_91 : i32
      %add3A_93 = arith.addi %add3A_90, %mul3A_92 : i32
      %dma_start3A_94 = arith.constant 8 : i32
      %dma_start3A_95 = arith.constant 0 : i32
      %dma_start3A_96 = tpu.memref_slice %arg7[%dma_start3A_94, %dma_start3A_95] : memref<16x2048xf32, #tpu.memory_space<vmem>> -> memref<4x2048xf32, #tpu.memory_space<vmem>>
      %dma_start3A_97 = arith.constant 0 : i32
      %dma_start3A_98 = tpu.memref_slice %arg5[%add3A_93, %dma_start3A_97] : memref<8192x2048xf32, #tpu.memory_space<hbm>> -> memref<4x2048xf32, #tpu.memory_space<hbm>>
      %dma_start3A_99 = arith.constant 0 : i32
      %dma_start3A_100 = tpu.memref_slice %arg5[%add3A_93, %dma_start3A_99] : memref<8192x2048xf32, #tpu.memory_space<hbm>> -> memref<4x2048xf32, #tpu.memory_space<hbm>>
      %dma_start3A_101 = arith.constant 8 : i32
      %dma_start3A_102 = arith.constant 0 : i32
      %dma_start3A_103 = tpu.memref_slice %arg7[%dma_start3A_101, %dma_start3A_102] : memref<16x2048xf32, #tpu.memory_space<vmem>> -> memref<4x2048xf32, #tpu.memory_space<vmem>>
      tpu.enqueue_dma source(%dma_start3A_103 : memref<4x2048xf32, #tpu.memory_space<vmem>>) target(%dma_start3A_100 : memref<4x2048xf32, #tpu.memory_space<hbm>>) target_semaphore(%arg15 : memref<!tpu.dma_semaphore, #tpu.memory_space<semaphore_mem>>)
      %add3A_104 = arith.constant 6144 : i32
      %add3A_105 = arith.addi %add3A_104, %mul3A_2 : i32
      %mul3A_106 = arith.constant 4 : i32
      %mul3A_107 = arith.muli %mul3A_35, %mul3A_106 : i32
      %add3A_108 = arith.addi %add3A_105, %mul3A_107 : i32
      %dma_start3A_109 = arith.constant 12 : i32
      %dma_start3A_110 = arith.constant 0 : i32
      %dma_start3A_111 = tpu.memref_slice %arg7[%dma_start3A_109, %dma_start3A_110] : memref<16x2048xf32, #tpu.memory_space<vmem>> -> memref<4x2048xf32, #tpu.memory_space<vmem>>
      %dma_start3A_112 = arith.constant 0 : i32
      %dma_start3A_113 = tpu.memref_slice %arg5[%add3A_108, %dma_start3A_112] : memref<8192x2048xf32, #tpu.memory_space<hbm>> -> memref<4x2048xf32, #tpu.memory_space<hbm>>
      %dma_start3A_114 = arith.constant 0 : i32
      %dma_start3A_115 = tpu.memref_slice %arg5[%add3A_108, %dma_start3A_114] : memref<8192x2048xf32, #tpu.memory_space<hbm>> -> memref<4x2048xf32, #tpu.memory_space<hbm>>
      %dma_start3A_116 = arith.constant 12 : i32
      %dma_start3A_117 = arith.constant 0 : i32
      %dma_start3A_118 = tpu.memref_slice %arg7[%dma_start3A_116, %dma_start3A_117] : memref<16x2048xf32, #tpu.memory_space<vmem>> -> memref<4x2048xf32, #tpu.memory_space<vmem>>
      tpu.enqueue_dma source(%dma_start3A_118 : memref<4x2048xf32, #tpu.memory_space<vmem>>) target(%dma_start3A_115 : memref<4x2048xf32, #tpu.memory_space<hbm>>) target_semaphore(%arg15 : memref<!tpu.dma_semaphore, #tpu.memory_space<semaphore_mem>>)
      %mul3A_119 = arith.constant 2 : i32
      %mul3A_120 = arith.muli %scan3A_32, %mul3A_119 : i32
      %add3A_121 = arith.constant 1 : i32
      %add3A_122 = arith.addi %mul3A_120, %add3A_121 : i32
      %add3A_123 = arith.constant 1 : i32
      %add3A_124 = arith.addi %add3A_122, %add3A_123 : i32
      %lt3A_125 = arith.constant 16 : i32
      %lt3A_126 = arith.cmpi slt, %add3A_124, %lt3A_125 : i32
      %convert_element_type3A_127 = arith.extui %lt3A_126 : i1 to i32
      %cond3A_128 = arith.constant 0 : i32
      %cond3A_129 = arith.cmpi ne, %convert_element_type3A_127, %cond3A_128 : i32
      scf.if %cond3A_129 {
        %ge3A = arith.constant 1 : i32
        %ge3A_210 = arith.cmpi sge, %add3A_122, %ge3A : i32
        %convert_element_type3A_211 = arith.extui %ge3A_210 : i1 to i32
        %cond3A_212 = arith.constant 0 : i32
        %cond3A_213 = arith.cmpi ne, %convert_element_type3A_211, %cond3A_212 : i32
        scf.if %cond3A_213 {
          %dma_wait3A_229 = arith.constant 0 : i32
          %dma_wait3A_230 = arith.constant 0 : i32
          %dma_wait3A_231 = tpu.memref_slice %arg5[%dma_wait3A_229, %dma_wait3A_230] : memref<8192x2048xf32, #tpu.memory_space<hbm>> -> memref<16x2048xf32, #tpu.memory_space<hbm>>
          %dma_wait3A_232 = arith.constant 0 : i32
          %dma_wait3A_233 = arith.constant 0 : i32
          %dma_wait3A_234 = tpu.memref_slice %arg5[%dma_wait3A_232, %dma_wait3A_233] : memref<8192x2048xf32, #tpu.memory_space<hbm>> -> memref<16x2048xf32, #tpu.memory_space<hbm>>
          tpu.wait_dma2 semaphore(%arg15 : memref<!tpu.dma_semaphore, #tpu.memory_space<semaphore_mem>>) src(%arg7 : memref<16x2048xf32, #tpu.memory_space<vmem>>) dst(%dma_wait3A_234 : memref<16x2048xf32, #tpu.memory_space<hbm>>)
        } else {
        }
        %add3A_214 = arith.constant 1 : i32
        %add3A_215 = arith.addi %add3A_122, %add3A_214 : i32
        %mul3A_216 = arith.constant 16 : i32
        %mul3A_217 = arith.muli %add3A_215, %mul3A_216 : i32
        %dma_start3A_218 = tpu.memref_slice %arg6[%mul3A_217] : memref<256xi32, #tpu.memory_space<vmem>> -> memref<16xi32, #tpu.memory_space<vmem>>
        %dma_start3A_219 = arith.constant 0 : i32
        %dma_start3A_220 = arith.constant 0 : i32
        %dma_start3A_221 = tpu.memref_slice %arg3[%dma_start3A_219, %dma_start3A_220] : memref<100000x2048xf32, #tpu.memory_space<hbm>> -> memref<100000x2048xf32, #tpu.memory_space<hbm>>
        tpu.enqueue_indirect_dma source(%dma_start3A_221 : memref<100000x2048xf32, #tpu.memory_space<hbm>>) target(%arg7 : memref<16x2048xf32, #tpu.memory_space<vmem>>) offsets(%dma_start3A_218 : memref<16xi32, #tpu.memory_space<vmem>>) semaphore(%arg11 : memref<!tpu.dma_semaphore, #tpu.memory_space<semaphore_mem>>)
        %mul3A_222 = arith.constant 4 : i32
        %mul3A_223 = arith.muli %add3A_215, %mul3A_222 : i32
        %add3A_224 = arith.addi %mul3A_2, %mul3A_223 : i32
        %dma_start3A_225 = arith.constant 0 : i32
        %dma_start3A_226 = tpu.memref_slice %arg4[%add3A_224, %dma_start3A_225] : memref<4096x2048xf32, #tpu.memory_space<hbm>> -> memref<4x2048xf32, #tpu.memory_space<hbm>>
        %dma_start3A_227 = arith.constant 0 : i32
        %dma_start3A_228 = tpu.memref_slice %arg4[%add3A_224, %dma_start3A_227] : memref<4096x2048xf32, #tpu.memory_space<hbm>> -> memref<4x2048xf32, #tpu.memory_space<hbm>>
        tpu.enqueue_dma source(%dma_start3A_228 : memref<4x2048xf32, #tpu.memory_space<hbm>>) target(%arg9 : memref<4x2048xf32, #tpu.memory_space<vmem>>) target_semaphore(%arg13 : memref<!tpu.dma_semaphore, #tpu.memory_space<semaphore_mem>>)
      } else {
      }
      %dma_wait3A_130 = arith.constant 0 : i32
      %dma_wait3A_131 = arith.constant 0 : i32
      %dma_wait3A_132 = tpu.memref_slice %arg3[%dma_wait3A_130, %dma_wait3A_131] : memref<100000x2048xf32, #tpu.memory_space<hbm>> -> memref<16x2048xf32, #tpu.memory_space<hbm>>
      %dma_wait3A_133 = arith.constant 0 : i32
      %dma_wait3A_134 = arith.constant 0 : i32
      %dma_wait3A_135 = tpu.memref_slice %arg3[%dma_wait3A_133, %dma_wait3A_134] : memref<100000x2048xf32, #tpu.memory_space<hbm>> -> memref<16x2048xf32, #tpu.memory_space<hbm>>
      tpu.wait_dma2 semaphore(%arg12 : memref<!tpu.dma_semaphore, #tpu.memory_space<semaphore_mem>>) src(%dma_wait3A_135 : memref<16x2048xf32, #tpu.memory_space<hbm>>) dst(%arg8 : memref<16x2048xf32, #tpu.memory_space<vmem>>)
      %dma_wait3A_136 = arith.constant 0 : i32
      %dma_wait3A_137 = arith.constant 0 : i32
      %dma_wait3A_138 = tpu.memref_slice %arg4[%dma_wait3A_136, %dma_wait3A_137] : memref<4096x2048xf32, #tpu.memory_space<hbm>> -> memref<4x2048xf32, #tpu.memory_space<hbm>>
      %dma_wait3A_139 = arith.constant 0 : i32
      %dma_wait3A_140 = arith.constant 0 : i32
      %dma_wait3A_141 = tpu.memref_slice %arg4[%dma_wait3A_139, %dma_wait3A_140] : memref<4096x2048xf32, #tpu.memory_space<hbm>> -> memref<4x2048xf32, #tpu.memory_space<hbm>>
      tpu.wait_dma2 semaphore(%arg14 : memref<!tpu.dma_semaphore, #tpu.memory_space<semaphore_mem>>) src(%dma_wait3A_141 : memref<4x2048xf32, #tpu.memory_space<hbm>>) dst(%arg10 : memref<4x2048xf32, #tpu.memory_space<vmem>>)
      %scan3A_142 = arith.constant 0 : i32
      %scan3A_143 = arith.constant 0 : i32
      %scan3A_144 = arith.constant 128 : i32
      %scan3A_145 = arith.addi %scan3A_143, %scan3A_144 : i32
      %scan3A_146 = arith.constant 1 : i32
      %scan3A_147 = scf.for %scan3A_210 = %scan3A_143 to %scan3A_145 step %scan3A_146 iter_args(%scan3A_211 = %scan3A_142) -> (i32)  : i32 {
        %mul3A_212 = arith.constant 16 : i32
        %mul3A_213 = arith.muli %scan3A_210, %mul3A_212 : i32
        %get3A = arith.constant 0 : i32
        %get3A_214 = arith.index_cast %get3A : i32 to index
        %get3A_215 = arith.index_cast %mul3A_213 : i32 to index
        %get3A_216 = tpu.vector_load %arg10[%get3A_214, %get3A_215] {strides = array<i32>} : memref<4x2048xf32, #tpu.memory_space<vmem>>, vector<1x16xf32>,
        %get3A_217 = vector.shape_cast %get3A_216 : vector<1x16xf32> to vector<16xf32>
        %get3A_218 = arith.constant 0 : i32
        %get3A_219 = arith.index_cast %get3A_218 : i32 to index
        %get3A_220 = arith.index_cast %mul3A_213 : i32 to index
        %get3A_221 = tpu.vector_load %arg8[%get3A_219, %get3A_220] {strides = array<i32>} : memref<16x2048xf32, #tpu.memory_space<vmem>>, vector<1x16xf32>,
        %get3A_222 = vector.shape_cast %get3A_221 : vector<1x16xf32> to vector<16xf32>
        %add3A_223 = arith.addf %get3A_222, %get3A_217 : vector<16xf32>
        %swap3A = arith.constant 0 : i32
        %swap3A_224 = arith.index_cast %swap3A : i32 to index
        %swap3A_225 = arith.index_cast %mul3A_213 : i32 to index
        %swap3A_226 = tpu.vector_load %arg8[%swap3A_224, %swap3A_225] {strides = array<i32>} : memref<16x2048xf32, #tpu.memory_space<vmem>>, vector<1x16xf32>,
        %swap3A_227 = vector.shape_cast %swap3A_226 : vector<1x16xf32> to vector<16xf32>
        %swap3A_228 = vector.shape_cast %add3A_223 : vector<16xf32> to vector<1x16xf32>
        tpu.vector_store %arg8[%swap3A_224, %swap3A_225], %swap3A_228 {strides = array<i32>} : memref<16x2048xf32, #tpu.memory_space<vmem>>, vector<1x16xf32>,
        %get3A_229 = arith.constant 4 : i32
        %get3A_230 = arith.index_cast %get3A_229 : i32 to index
        %get3A_231 = arith.index_cast %mul3A_213 : i32 to index
        %get3A_232 = tpu.vector_load %arg8[%get3A_230, %get3A_231] {strides = array<i32>} : memref<16x2048xf32, #tpu.memory_space<vmem>>, vector<1x16xf32>,
        %get3A_233 = vector.shape_cast %get3A_232 : vector<1x16xf32> to vector<16xf32>
        %add3A_234 = arith.addf %get3A_233, %get3A_217 : vector<16xf32>
        %swap3A_235 = arith.constant 4 : i32
        %swap3A_236 = arith.index_cast %swap3A_235 : i32 to index
        %swap3A_237 = arith.index_cast %mul3A_213 : i32 to index
        %swap3A_238 = tpu.vector_load %arg8[%swap3A_236, %swap3A_237] {strides = array<i32>} : memref<16x2048xf32, #tpu.memory_space<vmem>>, vector<1x16xf32>,
        %swap3A_239 = vector.shape_cast %swap3A_238 : vector<1x16xf32> to vector<16xf32>
        %swap3A_240 = vector.shape_cast %add3A_234 : vector<16xf32> to vector<1x16xf32>
        tpu.vector_store %arg8[%swap3A_236, %swap3A_237], %swap3A_240 {strides = array<i32>} : memref<16x2048xf32, #tpu.memory_space<vmem>>, vector<1x16xf32>,
        %get3A_241 = arith.constant 8 : i32
        %get3A_242 = arith.index_cast %get3A_241 : i32 to index
        %get3A_243 = arith.index_cast %mul3A_213 : i32 to index
        %get3A_244 = tpu.vector_load %arg8[%get3A_242, %get3A_243] {strides = array<i32>} : memref<16x2048xf32, #tpu.memory_space<vmem>>, vector<1x16xf32>,
        %get3A_245 = vector.shape_cast %get3A_244 : vector<1x16xf32> to vector<16xf32>
        %add3A_246 = arith.addf %get3A_245, %get3A_217 : vector<16xf32>
        %swap3A_247 = arith.constant 8 : i32
        %swap3A_248 = arith.index_cast %swap3A_247 : i32 to index
        %swap3A_249 = arith.index_cast %mul3A_213 : i32 to index
        %swap3A_250 = tpu.vector_load %arg8[%swap3A_248, %swap3A_249] {strides = array<i32>} : memref<16x2048xf32, #tpu.memory_space<vmem>>, vector<1x16xf32>,
        %swap3A_251 = vector.shape_cast %swap3A_250 : vector<1x16xf32> to vector<16xf32>
        %swap3A_252 = vector.shape_cast %add3A_246 : vector<16xf32> to vector<1x16xf32>
        tpu.vector_store %arg8[%swap3A_248, %swap3A_249], %swap3A_252 {strides = array<i32>} : memref<16x2048xf32, #tpu.memory_space<vmem>>, vector<1x16xf32>,
        %get3A_253 = arith.constant 12 : i32
        %get3A_254 = arith.index_cast %get3A_253 : i32 to index
        %get3A_255 = arith.index_cast %mul3A_213 : i32 to index
        %get3A_256 = tpu.vector_load %arg8[%get3A_254, %get3A_255] {strides = array<i32>} : memref<16x2048xf32, #tpu.memory_space<vmem>>, vector<1x16xf32>,
        %get3A_257 = vector.shape_cast %get3A_256 : vector<1x16xf32> to vector<16xf32>
        %add3A_258 = arith.addf %get3A_257, %get3A_217 : vector<16xf32>
        %swap3A_259 = arith.constant 12 : i32
        %swap3A_260 = arith.index_cast %swap3A_259 : i32 to index
        %swap3A_261 = arith.index_cast %mul3A_213 : i32 to index
        %swap3A_262 = tpu.vector_load %arg8[%swap3A_260, %swap3A_261] {strides = array<i32>} : memref<16x2048xf32, #tpu.memory_space<vmem>>, vector<1x16xf32>,
        %swap3A_263 = vector.shape_cast %swap3A_262 : vector<1x16xf32> to vector<16xf32>
        %swap3A_264 = vector.shape_cast %add3A_258 : vector<16xf32> to vector<1x16xf32>
        tpu.vector_store %arg8[%swap3A_260, %swap3A_261], %swap3A_264 {strides = array<i32>} : memref<16x2048xf32, #tpu.memory_space<vmem>>, vector<1x16xf32>,
        %get3A_265 = arith.constant 1 : i32
        %get3A_266 = arith.index_cast %get3A_265 : i32 to index
        %get3A_267 = arith.index_cast %mul3A_213 : i32 to index
        %get3A_268 = tpu.vector_load %arg10[%get3A_266, %get3A_267] {strides = array<i32>} : memref<4x2048xf32, #tpu.memory_space<vmem>>, vector<1x16xf32>,
        %get3A_269 = vector.shape_cast %get3A_268 : vector<1x16xf32> to vector<16xf32>
        %get3A_270 = arith.constant 1 : i32
        %get3A_271 = arith.index_cast %get3A_270 : i32 to index
        %get3A_272 = arith.index_cast %mul3A_213 : i32 to index
        %get3A_273 = tpu.vector_load %arg8[%get3A_271, %get3A_272] {strides = array<i32>} : memref<16x2048xf32, #tpu.memory_space<vmem>>, vector<1x16xf32>,
        %get3A_274 = vector.shape_cast %get3A_273 : vector<1x16xf32> to vector<16xf32>
        %add3A_275 = arith.addf %get3A_274, %get3A_269 : vector<16xf32>
        %swap3A_276 = arith.constant 1 : i32
        %swap3A_277 = arith.index_cast %swap3A_276 : i32 to index
        %swap3A_278 = arith.index_cast %mul3A_213 : i32 to index
        %swap3A_279 = tpu.vector_load %arg8[%swap3A_277, %swap3A_278] {strides = array<i32>} : memref<16x2048xf32, #tpu.memory_space<vmem>>, vector<1x16xf32>,
        %swap3A_280 = vector.shape_cast %swap3A_279 : vector<1x16xf32> to vector<16xf32>
        %swap3A_281 = vector.shape_cast %add3A_275 : vector<16xf32> to vector<1x16xf32>
        tpu.vector_store %arg8[%swap3A_277, %swap3A_278], %swap3A_281 {strides = array<i32>} : memref<16x2048xf32, #tpu.memory_space<vmem>>, vector<1x16xf32>,
        %get3A_282 = arith.constant 5 : i32
        %get3A_283 = arith.index_cast %get3A_282 : i32 to index
        %get3A_284 = arith.index_cast %mul3A_213 : i32 to index
        %get3A_285 = tpu.vector_load %arg8[%get3A_283, %get3A_284] {strides = array<i32>} : memref<16x2048xf32, #tpu.memory_space<vmem>>, vector<1x16xf32>,
        %get3A_286 = vector.shape_cast %get3A_285 : vector<1x16xf32> to vector<16xf32>
        %add3A_287 = arith.addf %get3A_286, %get3A_269 : vector<16xf32>
        %swap3A_288 = arith.constant 5 : i32
        %swap3A_289 = arith.index_cast %swap3A_288 : i32 to index
        %swap3A_290 = arith.index_cast %mul3A_213 : i32 to index
        %swap3A_291 = tpu.vector_load %arg8[%swap3A_289, %swap3A_290] {strides = array<i32>} : memref<16x2048xf32, #tpu.memory_space<vmem>>, vector<1x16xf32>,
        %swap3A_292 = vector.shape_cast %swap3A_291 : vector<1x16xf32> to vector<16xf32>
        %swap3A_293 = vector.shape_cast %add3A_287 : vector<16xf32> to vector<1x16xf32>
        tpu.vector_store %arg8[%swap3A_289, %swap3A_290], %swap3A_293 {strides = array<i32>} : memref<16x2048xf32, #tpu.memory_space<vmem>>, vector<1x16xf32>,
        %get3A_294 = arith.constant 9 : i32
        %get3A_295 = arith.index_cast %get3A_294 : i32 to index
        %get3A_296 = arith.index_cast %mul3A_213 : i32 to index
        %get3A_297 = tpu.vector_load %arg8[%get3A_295, %get3A_296] {strides = array<i32>} : memref<16x2048xf32, #tpu.memory_space<vmem>>, vector<1x16xf32>,
        %get3A_298 = vector.shape_cast %get3A_297 : vector<1x16xf32> to vector<16xf32>
        %add3A_299 = arith.addf %get3A_298, %get3A_269 : vector<16xf32>
        %swap3A_300 = arith.constant 9 : i32
        %swap3A_301 = arith.index_cast %swap3A_300 : i32 to index
        %swap3A_302 = arith.index_cast %mul3A_213 : i32 to index
        %swap3A_303 = tpu.vector_load %arg8[%swap3A_301, %swap3A_302] {strides = array<i32>} : memref<16x2048xf32, #tpu.memory_space<vmem>>, vector<1x16xf32>,
        %swap3A_304 = vector.shape_cast %swap3A_303 : vector<1x16xf32> to vector<16xf32>
        %swap3A_305 = vector.shape_cast %add3A_299 : vector<16xf32> to vector<1x16xf32>
        tpu.vector_store %arg8[%swap3A_301, %swap3A_302], %swap3A_305 {strides = array<i32>} : memref<16x2048xf32, #tpu.memory_space<vmem>>, vector<1x16xf32>,
        %get3A_306 = arith.constant 13 : i32
        %get3A_307 = arith.index_cast %get3A_306 : i32 to index
        %get3A_308 = arith.index_cast %mul3A_213 : i32 to index
        %get3A_309 = tpu.vector_load %arg8[%get3A_307, %get3A_308] {strides = array<i32>} : memref<16x2048xf32, #tpu.memory_space<vmem>>, vector<1x16xf32>,
        %get3A_310 = vector.shape_cast %get3A_309 : vector<1x16xf32> to vector<16xf32>
        %add3A_311 = arith.addf %get3A_310, %get3A_269 : vector<16xf32>
        %swap3A_312 = arith.constant 13 : i32
        %swap3A_313 = arith.index_cast %swap3A_312 : i32 to index
        %swap3A_314 = arith.index_cast %mul3A_213 : i32 to index
        %swap3A_315 = tpu.vector_load %arg8[%swap3A_313, %swap3A_314] {strides = array<i32>} : memref<16x2048xf32, #tpu.memory_space<vmem>>, vector<1x16xf32>,
        %swap3A_316 = vector.shape_cast %swap3A_315 : vector<1x16xf32> to vector<16xf32>
        %swap3A_317 = vector.shape_cast %add3A_311 : vector<16xf32> to vector<1x16xf32>
        tpu.vector_store %arg8[%swap3A_313, %swap3A_314], %swap3A_317 {strides = array<i32>} : memref<16x2048xf32, #tpu.memory_space<vmem>>, vector<1x16xf32>,
        %get3A_318 = arith.constant 2 : i32
        %get3A_319 = arith.index_cast %get3A_318 : i32 to index
        %get3A_320 = arith.index_cast %mul3A_213 : i32 to index
        %get3A_321 = tpu.vector_load %arg10[%get3A_319, %get3A_320] {strides = array<i32>} : memref<4x2048xf32, #tpu.memory_space<vmem>>, vector<1x16xf32>,
        %get3A_322 = vector.shape_cast %get3A_321 : vector<1x16xf32> to vector<16xf32>
        %get3A_323 = arith.constant 2 : i32
        %get3A_324 = arith.index_cast %get3A_323 : i32 to index
        %get3A_325 = arith.index_cast %mul3A_213 : i32 to index
        %get3A_326 = tpu.vector_load %arg8[%get3A_324, %get3A_325] {strides = array<i32>} : memref<16x2048xf32, #tpu.memory_space<vmem>>, vector<1x16xf32>,
        %get3A_327 = vector.shape_cast %get3A_326 : vector<1x16xf32> to vector<16xf32>
        %add3A_328 = arith.addf %get3A_327, %get3A_322 : vector<16xf32>
        %swap3A_329 = arith.constant 2 : i32
        %swap3A_330 = arith.index_cast %swap3A_329 : i32 to index
        %swap3A_331 = arith.index_cast %mul3A_213 : i32 to index
        %swap3A_332 = tpu.vector_load %arg8[%swap3A_330, %swap3A_331] {strides = array<i32>} : memref<16x2048xf32, #tpu.memory_space<vmem>>, vector<1x16xf32>,
        %swap3A_333 = vector.shape_cast %swap3A_332 : vector<1x16xf32> to vector<16xf32>
        %swap3A_334 = vector.shape_cast %add3A_328 : vector<16xf32> to vector<1x16xf32>
        tpu.vector_store %arg8[%swap3A_330, %swap3A_331], %swap3A_334 {strides = array<i32>} : memref<16x2048xf32, #tpu.memory_space<vmem>>, vector<1x16xf32>,
        %get3A_335 = arith.constant 6 : i32
        %get3A_336 = arith.index_cast %get3A_335 : i32 to index
        %get3A_337 = arith.index_cast %mul3A_213 : i32 to index
        %get3A_338 = tpu.vector_load %arg8[%get3A_336, %get3A_337] {strides = array<i32>} : memref<16x2048xf32, #tpu.memory_space<vmem>>, vector<1x16xf32>,
        %get3A_339 = vector.shape_cast %get3A_338 : vector<1x16xf32> to vector<16xf32>
        %add3A_340 = arith.addf %get3A_339, %get3A_322 : vector<16xf32>
        %swap3A_341 = arith.constant 6 : i32
        %swap3A_342 = arith.index_cast %swap3A_341 : i32 to index
        %swap3A_343 = arith.index_cast %mul3A_213 : i32 to index
        %swap3A_344 = tpu.vector_load %arg8[%swap3A_342, %swap3A_343] {strides = array<i32>} : memref<16x2048xf32, #tpu.memory_space<vmem>>, vector<1x16xf32>,
        %swap3A_345 = vector.shape_cast %swap3A_344 : vector<1x16xf32> to vector<16xf32>
        %swap3A_346 = vector.shape_cast %add3A_340 : vector<16xf32> to vector<1x16xf32>
        tpu.vector_store %arg8[%swap3A_342, %swap3A_343], %swap3A_346 {strides = array<i32>} : memref<16x2048xf32, #tpu.memory_space<vmem>>, vector<1x16xf32>,
        %get3A_347 = arith.constant 10 : i32
        %get3A_348 = arith.index_cast %get3A_347 : i32 to index
        %get3A_349 = arith.index_cast %mul3A_213 : i32 to index
        %get3A_350 = tpu.vector_load %arg8[%get3A_348, %get3A_349] {strides = array<i32>} : memref<16x2048xf32, #tpu.memory_space<vmem>>, vector<1x16xf32>,
        %get3A_351 = vector.shape_cast %get3A_350 : vector<1x16xf32> to vector<16xf32>
        %add3A_352 = arith.addf %get3A_351, %get3A_322 : vector<16xf32>
        %swap3A_353 = arith.constant 10 : i32
        %swap3A_354 = arith.index_cast %swap3A_353 : i32 to index
        %swap3A_355 = arith.index_cast %mul3A_213 : i32 to index
        %swap3A_356 = tpu.vector_load %arg8[%swap3A_354, %swap3A_355] {strides = array<i32>} : memref<16x2048xf32, #tpu.memory_space<vmem>>, vector<1x16xf32>,
        %swap3A_357 = vector.shape_cast %swap3A_356 : vector<1x16xf32> to vector<16xf32>
        %swap3A_358 = vector.shape_cast %add3A_352 : vector<16xf32> to vector<1x16xf32>
        tpu.vector_store %arg8[%swap3A_354, %swap3A_355], %swap3A_358 {strides = array<i32>} : memref<16x2048xf32, #tpu.memory_space<vmem>>, vector<1x16xf32>,
        %get3A_359 = arith.constant 14 : i32
        %get3A_360 = arith.index_cast %get3A_359 : i32 to index
        %get3A_361 = arith.index_cast %mul3A_213 : i32 to index
        %get3A_362 = tpu.vector_load %arg8[%get3A_360, %get3A_361] {strides = array<i32>} : memref<16x2048xf32, #tpu.memory_space<vmem>>, vector<1x16xf32>,
        %get3A_363 = vector.shape_cast %get3A_362 : vector<1x16xf32> to vector<16xf32>
        %add3A_364 = arith.addf %get3A_363, %get3A_322 : vector<16xf32>
        %swap3A_365 = arith.constant 14 : i32
        %swap3A_366 = arith.index_cast %swap3A_365 : i32 to index
        %swap3A_367 = arith.index_cast %mul3A_213 : i32 to index
        %swap3A_368 = tpu.vector_load %arg8[%swap3A_366, %swap3A_367] {strides = array<i32>} : memref<16x2048xf32, #tpu.memory_space<vmem>>, vector<1x16xf32>,
        %swap3A_369 = vector.shape_cast %swap3A_368 : vector<1x16xf32> to vector<16xf32>
        %swap3A_370 = vector.shape_cast %add3A_364 : vector<16xf32> to vector<1x16xf32>
        tpu.vector_store %arg8[%swap3A_366, %swap3A_367], %swap3A_370 {strides = array<i32>} : memref<16x2048xf32, #tpu.memory_space<vmem>>, vector<1x16xf32>,
        %get3A_371 = arith.constant 3 : i32
        %get3A_372 = arith.index_cast %get3A_371 : i32 to index
        %get3A_373 = arith.index_cast %mul3A_213 : i32 to index
        %get3A_374 = tpu.vector_load %arg10[%get3A_372, %get3A_373] {strides = array<i32>} : memref<4x2048xf32, #tpu.memory_space<vmem>>, vector<1x16xf32>,
        %get3A_375 = vector.shape_cast %get3A_374 : vector<1x16xf32> to vector<16xf32>
        %get3A_376 = arith.constant 3 : i32
        %get3A_377 = arith.index_cast %get3A_376 : i32 to index
        %get3A_378 = arith.index_cast %mul3A_213 : i32 to index
        %get3A_379 = tpu.vector_load %arg8[%get3A_377, %get3A_378] {strides = array<i32>} : memref<16x2048xf32, #tpu.memory_space<vmem>>, vector<1x16xf32>,
        %get3A_380 = vector.shape_cast %get3A_379 : vector<1x16xf32> to vector<16xf32>
        %add3A_381 = arith.addf %get3A_380, %get3A_375 : vector<16xf32>
        %swap3A_382 = arith.constant 3 : i32
        %swap3A_383 = arith.index_cast %swap3A_382 : i32 to index
        %swap3A_384 = arith.index_cast %mul3A_213 : i32 to index
        %swap3A_385 = tpu.vector_load %arg8[%swap3A_383, %swap3A_384] {strides = array<i32>} : memref<16x2048xf32, #tpu.memory_space<vmem>>, vector<1x16xf32>,
        %swap3A_386 = vector.shape_cast %swap3A_385 : vector<1x16xf32> to vector<16xf32>
        %swap3A_387 = vector.shape_cast %add3A_381 : vector<16xf32> to vector<1x16xf32>
        tpu.vector_store %arg8[%swap3A_383, %swap3A_384], %swap3A_387 {strides = array<i32>} : memref<16x2048xf32, #tpu.memory_space<vmem>>, vector<1x16xf32>,
        %get3A_388 = arith.constant 7 : i32
        %get3A_389 = arith.index_cast %get3A_388 : i32 to index
        %get3A_390 = arith.index_cast %mul3A_213 : i32 to index
        %get3A_391 = tpu.vector_load %arg8[%get3A_389, %get3A_390] {strides = array<i32>} : memref<16x2048xf32, #tpu.memory_space<vmem>>, vector<1x16xf32>,
        %get3A_392 = vector.shape_cast %get3A_391 : vector<1x16xf32> to vector<16xf32>
        %add3A_393 = arith.addf %get3A_392, %get3A_375 : vector<16xf32>
        %swap3A_394 = arith.constant 7 : i32
        %swap3A_395 = arith.index_cast %swap3A_394 : i32 to index
        %swap3A_396 = arith.index_cast %mul3A_213 : i32 to index
        %swap3A_397 = tpu.vector_load %arg8[%swap3A_395, %swap3A_396] {strides = array<i32>} : memref<16x2048xf32, #tpu.memory_space<vmem>>, vector<1x16xf32>,
        %swap3A_398 = vector.shape_cast %swap3A_397 : vector<1x16xf32> to vector<16xf32>
        %swap3A_399 = vector.shape_cast %add3A_393 : vector<16xf32> to vector<1x16xf32>
        tpu.vector_store %arg8[%swap3A_395, %swap3A_396], %swap3A_399 {strides = array<i32>} : memref<16x2048xf32, #tpu.memory_space<vmem>>, vector<1x16xf32>,
        %get3A_400 = arith.constant 11 : i32
        %get3A_401 = arith.index_cast %get3A_400 : i32 to index
        %get3A_402 = arith.index_cast %mul3A_213 : i32 to index
        %get3A_403 = tpu.vector_load %arg8[%get3A_401, %get3A_402] {strides = array<i32>} : memref<16x2048xf32, #tpu.memory_space<vmem>>, vector<1x16xf32>,
        %get3A_404 = vector.shape_cast %get3A_403 : vector<1x16xf32> to vector<16xf32>
        %add3A_405 = arith.addf %get3A_404, %get3A_375 : vector<16xf32>
        %swap3A_406 = arith.constant 11 : i32
        %swap3A_407 = arith.index_cast %swap3A_406 : i32 to index
        %swap3A_408 = arith.index_cast %mul3A_213 : i32 to index
        %swap3A_409 = tpu.vector_load %arg8[%swap3A_407, %swap3A_408] {strides = array<i32>} : memref<16x2048xf32, #tpu.memory_space<vmem>>, vector<1x16xf32>,
        %swap3A_410 = vector.shape_cast %swap3A_409 : vector<1x16xf32> to vector<16xf32>
        %swap3A_411 = vector.shape_cast %add3A_405 : vector<16xf32> to vector<1x16xf32>
        tpu.vector_store %arg8[%swap3A_407, %swap3A_408], %swap3A_411 {strides = array<i32>} : memref<16x2048xf32, #tpu.memory_space<vmem>>, vector<1x16xf32>,
        %get3A_412 = arith.constant 15 : i32
        %get3A_413 = arith.index_cast %get3A_412 : i32 to index
        %get3A_414 = arith.index_cast %mul3A_213 : i32 to index
        %get3A_415 = tpu.vector_load %arg8[%get3A_413, %get3A_414] {strides = array<i32>} : memref<16x2048xf32, #tpu.memory_space<vmem>>, vector<1x16xf32>,
        %get3A_416 = vector.shape_cast %get3A_415 : vector<1x16xf32> to vector<16xf32>
        %add3A_417 = arith.addf %get3A_416, %get3A_375 : vector<16xf32>
        %swap3A_418 = arith.constant 15 : i32
        %swap3A_419 = arith.index_cast %swap3A_418 : i32 to index
        %swap3A_420 = arith.index_cast %mul3A_213 : i32 to index
        %swap3A_421 = tpu.vector_load %arg8[%swap3A_419, %swap3A_420] {strides = array<i32>} : memref<16x2048xf32, #tpu.memory_space<vmem>>, vector<1x16xf32>,
        %swap3A_422 = vector.shape_cast %swap3A_421 : vector<1x16xf32> to vector<16xf32>
        %swap3A_423 = vector.shape_cast %add3A_417 : vector<16xf32> to vector<1x16xf32>
        tpu.vector_store %arg8[%swap3A_419, %swap3A_420], %swap3A_423 {strides = array<i32>} : memref<16x2048xf32, #tpu.memory_space<vmem>>, vector<1x16xf32>,
        %scan3A_424 = arith.constant 0 : i32
        scf.yield %scan3A_424 : i32
      }
      %scan3A_148 = arith.constant 128 : i32
      %add3A_149 = arith.constant 0 : i32
      %add3A_150 = arith.addi %add3A_149, %mul3A_2 : i32
      %mul3A_151 = arith.constant 4 : i32
      %mul3A_152 = arith.muli %add3A_122, %mul3A_151 : i32
      %add3A_153 = arith.addi %add3A_150, %mul3A_152 : i32
      %dma_start3A_154 = arith.constant 0 : i32
      %dma_start3A_155 = arith.constant 0 : i32
      %dma_start3A_156 = tpu.memref_slice %arg8[%dma_start3A_154, %dma_start3A_155] : memref<16x2048xf32, #tpu.memory_space<vmem>> -> memref<4x2048xf32, #tpu.memory_space<vmem>>
      %dma_start3A_157 = arith.constant 0 : i32
      %dma_start3A_158 = tpu.memref_slice %arg5[%add3A_153, %dma_start3A_157] : memref<8192x2048xf32, #tpu.memory_space<hbm>> -> memref<4x2048xf32, #tpu.memory_space<hbm>>
      %dma_start3A_159 = arith.constant 0 : i32
      %dma_start3A_160 = tpu.memref_slice %arg5[%add3A_153, %dma_start3A_159] : memref<8192x2048xf32, #tpu.memory_space<hbm>> -> memref<4x2048xf32, #tpu.memory_space<hbm>>
      %dma_start3A_161 = arith.constant 0 : i32
      %dma_start3A_162 = arith.constant 0 : i32
      %dma_start3A_163 = tpu.memref_slice %arg8[%dma_start3A_161, %dma_start3A_162] : memref<16x2048xf32, #tpu.memory_space<vmem>> -> memref<4x2048xf32, #tpu.memory_space<vmem>>
      tpu.enqueue_dma source(%dma_start3A_163 : memref<4x2048xf32, #tpu.memory_space<vmem>>) target(%dma_start3A_160 : memref<4x2048xf32, #tpu.memory_space<hbm>>) target_semaphore(%arg16 : memref<!tpu.dma_semaphore, #tpu.memory_space<semaphore_mem>>)
      %add3A_164 = arith.constant 2048 : i32
      %add3A_165 = arith.addi %add3A_164, %mul3A_2 : i32
      %mul3A_166 = arith.constant 4 : i32
      %mul3A_167 = arith.muli %add3A_122, %mul3A_166 : i32
      %add3A_168 = arith.addi %add3A_165, %mul3A_167 : i32
      %dma_start3A_169 = arith.constant 4 : i32
      %dma_start3A_170 = arith.constant 0 : i32
      %dma_start3A_171 = tpu.memref_slice %arg8[%dma_start3A_169, %dma_start3A_170] : memref<16x2048xf32, #tpu.memory_space<vmem>> -> memref<4x2048xf32, #tpu.memory_space<vmem>>
      %dma_start3A_172 = arith.constant 0 : i32
      %dma_start3A_173 = tpu.memref_slice %arg5[%add3A_168, %dma_start3A_172] : memref<8192x2048xf32, #tpu.memory_space<hbm>> -> memref<4x2048xf32, #tpu.memory_space<hbm>>
      %dma_start3A_174 = arith.constant 0 : i32
      %dma_start3A_175 = tpu.memref_slice %arg5[%add3A_168, %dma_start3A_174] : memref<8192x2048xf32, #tpu.memory_space<hbm>> -> memref<4x2048xf32, #tpu.memory_space<hbm>>
      %dma_start3A_176 = arith.constant 4 : i32
      %dma_start3A_177 = arith.constant 0 : i32
      %dma_start3A_178 = tpu.memref_slice %arg8[%dma_start3A_176, %dma_start3A_177] : memref<16x2048xf32, #tpu.memory_space<vmem>> -> memref<4x2048xf32, #tpu.memory_space<vmem>>
      tpu.enqueue_dma source(%dma_start3A_178 : memref<4x2048xf32, #tpu.memory_space<vmem>>) target(%dma_start3A_175 : memref<4x2048xf32, #tpu.memory_space<hbm>>) target_semaphore(%arg16 : memref<!tpu.dma_semaphore, #tpu.memory_space<semaphore_mem>>)
      %add3A_179 = arith.constant 4096 : i32
      %add3A_180 = arith.addi %add3A_179, %mul3A_2 : i32
      %mul3A_181 = arith.constant 4 : i32
      %mul3A_182 = arith.muli %add3A_122, %mul3A_181 : i32
      %add3A_183 = arith.addi %add3A_180, %mul3A_182 : i32
      %dma_start3A_184 = arith.constant 8 : i32
      %dma_start3A_185 = arith.constant 0 : i32
      %dma_start3A_186 = tpu.memref_slice %arg8[%dma_start3A_184, %dma_start3A_185] : memref<16x2048xf32, #tpu.memory_space<vmem>> -> memref<4x2048xf32, #tpu.memory_space<vmem>>
      %dma_start3A_187 = arith.constant 0 : i32
      %dma_start3A_188 = tpu.memref_slice %arg5[%add3A_183, %dma_start3A_187] : memref<8192x2048xf32, #tpu.memory_space<hbm>> -> memref<4x2048xf32, #tpu.memory_space<hbm>>
      %dma_start3A_189 = arith.constant 0 : i32
      %dma_start3A_190 = tpu.memref_slice %arg5[%add3A_183, %dma_start3A_189] : memref<8192x2048xf32, #tpu.memory_space<hbm>> -> memref<4x2048xf32, #tpu.memory_space<hbm>>
      %dma_start3A_191 = arith.constant 8 : i32
      %dma_start3A_192 = arith.constant 0 : i32
      %dma_start3A_193 = tpu.memref_slice %arg8[%dma_start3A_191, %dma_start3A_192] : memref<16x2048xf32, #tpu.memory_space<vmem>> -> memref<4x2048xf32, #tpu.memory_space<vmem>>
      tpu.enqueue_dma source(%dma_start3A_193 : memref<4x2048xf32, #tpu.memory_space<vmem>>) target(%dma_start3A_190 : memref<4x2048xf32, #tpu.memory_space<hbm>>) target_semaphore(%arg16 : memref<!tpu.dma_semaphore, #tpu.memory_space<semaphore_mem>>)
      %add3A_194 = arith.constant 6144 : i32
      %add3A_195 = arith.addi %add3A_194, %mul3A_2 : i32
      %mul3A_196 = arith.constant 4 : i32
      %mul3A_197 = arith.muli %add3A_122, %mul3A_196 : i32
      %add3A_198 = arith.addi %add3A_195, %mul3A_197 : i32
      %dma_start3A_199 = arith.constant 12 : i32
      %dma_start3A_200 = arith.constant 0 : i32
      %dma_start3A_201 = tpu.memref_slice %arg8[%dma_start3A_199, %dma_start3A_200] : memref<16x2048xf32, #tpu.memory_space<vmem>> -> memref<4x2048xf32, #tpu.memory_space<vmem>>
      %dma_start3A_202 = arith.constant 0 : i32
      %dma_start3A_203 = tpu.memref_slice %arg5[%add3A_198, %dma_start3A_202] : memref<8192x2048xf32, #tpu.memory_space<hbm>> -> memref<4x2048xf32, #tpu.memory_space<hbm>>
      %dma_start3A_204 = arith.constant 0 : i32
      %dma_start3A_205 = tpu.memref_slice %arg5[%add3A_198, %dma_start3A_204] : memref<8192x2048xf32, #tpu.memory_space<hbm>> -> memref<4x2048xf32, #tpu.memory_space<hbm>>
      %dma_start3A_206 = arith.constant 12 : i32
      %dma_start3A_207 = arith.constant 0 : i32
      %dma_start3A_208 = tpu.memref_slice %arg8[%dma_start3A_206, %dma_start3A_207] : memref<16x2048xf32, #tpu.memory_space<vmem>> -> memref<4x2048xf32, #tpu.memory_space<vmem>>
      tpu.enqueue_dma source(%dma_start3A_208 : memref<4x2048xf32, #tpu.memory_space<vmem>>) target(%dma_start3A_205 : memref<4x2048xf32, #tpu.memory_space<hbm>>) target_semaphore(%arg16 : memref<!tpu.dma_semaphore, #tpu.memory_space<semaphore_mem>>)
      %scan3A_209 = arith.constant 0 : i32
      scf.yield %scan3A_209 : i32
    }
    %scan3A_20 = arith.constant 8 : i32
    %dma_wait3A = arith.constant 0 : i32
    %dma_wait3A_21 = arith.constant 0 : i32
    %dma_wait3A_22 = tpu.memref_slice %arg5[%dma_wait3A, %dma_wait3A_21] : memref<8192x2048xf32, #tpu.memory_space<hbm>> -> memref<16x2048xf32, #tpu.memory_space<hbm>>
    %dma_wait3A_23 = arith.constant 0 : i32
    %dma_wait3A_24 = arith.constant 0 : i32
    %dma_wait3A_25 = tpu.memref_slice %arg5[%dma_wait3A_23, %dma_wait3A_24] : memref<8192x2048xf32, #tpu.memory_space<hbm>> -> memref<16x2048xf32, #tpu.memory_space<hbm>>
    tpu.wait_dma2 semaphore(%arg15 : memref<!tpu.dma_semaphore, #tpu.memory_space<semaphore_mem>>) src(%arg7 : memref<16x2048xf32, #tpu.memory_space<vmem>>) dst(%dma_wait3A_25 : memref<16x2048xf32, #tpu.memory_space<hbm>>)
    %dma_wait3A_26 = arith.constant 0 : i32
    %dma_wait3A_27 = arith.constant 0 : i32
    %dma_wait3A_28 = tpu.memref_slice %arg5[%dma_wait3A_26, %dma_wait3A_27] : memref<8192x2048xf32, #tpu.memory_space<hbm>> -> memref<16x2048xf32, #tpu.memory_space<hbm>>
    %dma_wait3A_29 = arith.constant 0 : i32
    %dma_wait3A_30 = arith.constant 0 : i32
    %dma_wait3A_31 = tpu.memref_slice %arg5[%dma_wait3A_29, %dma_wait3A_30] : memref<8192x2048xf32, #tpu.memory_space<hbm>> -> memref<16x2048xf32, #tpu.memory_space<hbm>>
    tpu.wait_dma2 semaphore(%arg16 : memref<!tpu.dma_semaphore, #tpu.memory_space<semaphore_mem>>) src(%arg8 : memref<16x2048xf32, #tpu.memory_space<vmem>>) dst(%dma_wait3A_31 : memref<16x2048xf32, #tpu.memory_space<hbm>>)
    return
  }
}

</mosaic_0001>

<sc_bundles>
// kernel: kernel.3.cloned.1.call-start
scs
__scs_entry_jumppad:
0x0: {  	(pc) =	sbr.rel $0x88, $3  }
0x1: {  	(tag) =	ssettag $0x0;
	lr =	simm.s32 $0x1  }
0x2: {  	[smem:$0x3F9E] =	sst lr;
	_ =	strace $0xD0000000  }
0x3: {  	_ = 	snop  }
0x4: {  	_ = 	snop  }
0x5: {  	_ = 	snop  }
0x6: {  	_ = 	snop  }
0x7: {  	_ = 	snop  }
__scs_overlays_trampoline_lowered:
0x8: {  	[smem:$0x3FAD] =	sst s0  }
0x9: {  	[smem:$0x3FAE] =	sst s1  }
0xa: {  	[smem:$0x3FAF] =	sst s2  }
0xb: {  	[smem:$0x3FB0] =	sst s3  }
0xc: {  	[smem:$0x3FB1] =	sst s4  }
0xd: {  	[smem:$0x3FB2] =	sst s5  }
0xe: {  	[smem:$0x3FB3] =	sst s6  }
0xf: {  	[smem:$0x3FB4] =	sst s7  }
0x10: {  	[smem:$0x3FB5] =	sst s8  }
0x11: {  	[smem:$0x3FB6] =	sst s9;
	s0 =	simm.s32 @!p0 $0x0  }
0x12: {  	s1 =	sld [smem:$0x3F9C];
	s0 =	simm.s32 @p0 $0x1  }
0x13: {  	[smem:$0x3FB7] =	sst s0;
	s0 =	simm.s32 @!p1 $0x0  }
0x14: {  	s2 =	sld [smem:$0x3F9B];
	s0 =	simm.s32 @p1 $0x1  }
0x15: {  	[smem:$0x3FB8] =	sst s0;
	s0 =	simm.s32 @!p2 $0x0  }
0x16: {  	s3 =	sld [smem:$0x3FDB];
	s0 =	simm.s32 @p2 $0x1  }
0x17: {  	s4 =	simm.s32 $0x1BF5;
	[smem:$0x3FBA] =	sst s0  }
0x18: {  	s0 =	sld [smem:$0x3F9D];
	_ =	swait.ge [sflag:s4], $0x0  }
0x19: {  	s7 =	sld [smem:$0x3F9E]  }
0x1a: {  	s8 =	sadd.s32 $0xFFFFE003, lr  }
0x1b: {  	s9 =	sadd.s32 $0xFFFFFEF7, lr;
	s5 =	simm.s32 $0xFFFFFFFF;
	p2 =	slt.u32 s8, $0xFFFFF086  }
0x1c: {  	p1 =	slt.u32 s9, $0xF7A;
	s5 =	simm.s32 @!p2 $0x0  }
0x1d: {  	s5 =	simm.s32 @p1 $0x1;
	p0 =	seq.s32 s7, s2  }
0x1e: {  	s7 =	smul.u32 @!p0 $0xF7A, s2;
	p2 =	seq.s32 @!p0 s5, $0x0  }
0x1f: {  	s9 =	smul.u32 $0xF7A, s1;
	s8 =	simm.s32 @!p0 $0x1BF5;
	p2 =	por !p2, p0  }
0x20: {  	[sflag:s8] =	ssyncset.s32 @!p0 $0xFFFFF086;
	s6 =	sadd.s32 @!p0 s3, s7;
	s7 =	simm.s32 @!p0 $0x108  }
0x21: {  	s3 =	sadd.s32 s3, s9;
	s6 =	sadd.s32 @!p0 $0x88, s6;
	s7 =	simm.s32 @p2 $0x1082  }
0x22: {  	[simem:s7], [sflag:s8] =	dma.local @!p0 [hbm:s6], $0xF7A  }
0x23: {  	s9 =	sor.u32 $0xD0000000, s2;
	s6 =	simm.s32 $0x108;
	_ =	swait.ge @!p0 [sflag:s8], $0x0  }
0x24: {  	s3 =	sadd.s32 $0x88, s3;
	s6 =	simm.s32 @!p1 $0x1082;
	[sflag:s4] =	ssyncset.s32 $0xFFFFF086  }
0x25: {  	[simem:s6], [sflag:s4] =	dma.local [hbm:s3], $0xF7A  }
0x26: {  	[smem:$0x3F9E] =	sst s1;
	(tag) =	ssettag s2;
	_ =	strace s9  }
0x27: {  	s1 =	sld [smem:$0x3FAE]  }
0x28: {  	s2 =	sld [smem:$0x3FAF]  }
0x29: {  	s4 =	sld [smem:$0x3FB1]  }
0x2a: {  	p0 =	seq.s32 s5, $0x0;
	s5 =	sld [smem:$0x3FB2]  }
0x2b: {  	s6 =	sld [smem:$0x3FB3]  }
0x2c: {  	s7 =	sld [smem:$0x3FB4]  }
0x2d: {  	s3 =	simm.s32 $0x108;
	s8 =	sld [smem:$0x3FB5]  }
0x2e: {  	s3 =	simm.s32 @!p0 $0x1082;
	s9 =	sld [smem:$0x3FB6]  }
0x2f: {  	lr =	sadd.s32 s0, s3;
	s0 =	sld [smem:$0x3FAD]  }
0x30: {  	s3 =	sld [smem:$0x3FB0]  }
0x31: {  	[smem:$0x3FB9] =	sst s10  }
0x32: {  	s10 =	sld [smem:$0x3FB7];
	_ =	sdelay $0x3  }
0x33: {  	p0 =	seq.s32 s10, $0x1;
	s10 =	sld [smem:$0x3FB9];
	_ =	sdelay $0x3  }
0x34: {  	[smem:$0x3FB9] =	sst s10  }
0x35: {  	s10 =	sld [smem:$0x3FB8];
	_ =	sdelay $0x3  }
0x36: {  	p1 =	seq.s32 s10, $0x1;
	s10 =	sld [smem:$0x3FB9];
	_ =	sdelay $0x3  }
0x37: {  	[smem:$0x3FB9] =	sst s10  }
0x38: {  	s10 =	sld [smem:$0x3FBA]  }
0x39: {  	_ = 	snop;
	(pc) =	sbr.ind lr, $3  }
0x3a: {  	_ = 	snop  }
0x3b: {  	_ = 	snop  }
0x3c: {  	p2 =	seq.s32 s10, $0x1;
	s10 =	sld [smem:$0x3FB9]  }
0x3d: {  	_ =	shalt  }
0x3e: {  	_ =	shalt  }
0x3f: {  	_ =	shalt  }
0x40: {  	_ =	shalt  }
0x41: {  	_ =	shalt  }
0x42: {  	_ =	shalt  }
0x43: {  	_ =	shalt  }
0x44: {  	_ =	shalt  }
0x45: {  	_ =	shalt  }
0x46: {  	_ =	shalt  }
0x47: {  	_ =	shalt  }
0x48: {  	_ =	shalt  }
0x49: {  	_ =	shalt  }
0x4a: {  	_ =	shalt  }
0x4b: {  	_ =	shalt  }
0x4c: {  	_ =	shalt  }
0x4d: {  	_ =	shalt  }
0x4e: {  	_ =	shalt  }
0x4f: {  	_ =	shalt  }
0x50: {  	_ =	shalt  }
0x51: {  	_ =	shalt  }
0x52: {  	_ =	shalt  }
0x53: {  	_ =	shalt  }
0x54: {  	_ =	shalt  }
0x55: {  	_ =	shalt  }
0x56: {  	_ =	shalt  }
0x57: {  	_ =	shalt  }
0x58: {  	_ =	shalt  }
0x59: {  	_ =	shalt  }
0x5a: {  	_ =	shalt  }
0x5b: {  	_ =	shalt  }
0x5c: {  	_ =	shalt  }
0x5d: {  	_ =	shalt  }
0x5e: {  	_ =	shalt  }
0x5f: {  	_ =	shalt  }
0x60: {  	_ =	shalt  }
0x61: {  	_ =	shalt  }
0x62: {  	_ =	shalt  }
0x63: {  	_ =	shalt  }
0x64: {  	_ =	shalt  }
0x65: {  	_ =	shalt  }
0x66: {  	_ =	shalt  }
0x67: {  	_ =	shalt  }
0x68: {  	_ =	shalt  }
0x69: {  	_ =	shalt  }
0x6a: {  	_ =	shalt  }
0x6b: {  	_ =	shalt  }
0x6c: {  	_ =	shalt  }
0x6d: {  	_ =	shalt  }
0x6e: {  	_ =	shalt  }
0x6f: {  	_ =	shalt  }
0x70: {  	_ =	shalt  }
0x71: {  	_ =	shalt  }
0x72: {  	_ =	shalt  }
0x73: {  	_ =	shalt  }
0x74: {  	_ =	shalt  }
0x75: {  	_ =	shalt  }
0x76: {  	_ =	shalt  }
0x77: {  	_ =	shalt  }
0x78: {  	_ =	shalt  }
0x79: {  	_ =	shalt  }
0x7a: {  	_ =	shalt  }
0x7b: {  	_ =	shalt  }
0x7c: {  	_ =	shalt  }
0x7d: {  	_ =	shalt  }
0x7e: {  	_ =	shalt  }
0x7f: {  	_ =	shalt  }
0x80: {  	_ =	shalt  }
0x81: {  	_ =	shalt  }
0x82: {  	_ =	shalt  }
0x83: {  	_ =	shalt  }
0x84: {  	_ =	shalt  }
0x85: {  	_ =	shalt  }
0x86: {  	_ =	shalt  }
0x87: {  	_ =	shalt  }
.Lfunc_end0:
.L_simem_size_0:
called_computation_lowered:
.L_overlay_start_0:
0x88: {  	s2 =	sld [smem:$0x3FD9]  }
0x89: {  	s3 =	sld [smem:$0x3FFE];
	_ =	sdelay $0x1  }
0x8a: {  	s1 =	srdreg.scid  }
0x8b: {  	s0 =	sand.u32 $0x1, s1  }
0x8c: {  	s17 =	sshll.u32 s0, $0xA;
	s2 =	sadd.s32 s3, s2  }
0x8d: {  	s2 =	sadd.s32 s2, s17  }
0x8e: {  	[smem:$0x3FC5] =	sst s2  }
0x8f: {  	_ = 	snop  }
0x90: {  	s2 =	sld [smem:$0x3FC8]  }
0x91: {  	s18 =	sld [smem:$0x3FC7]  }
0x92: {  	s4 =	sld [smem:$0x3FD0];
	(tm) =	ssettm $0x1  }
0x93: {  	s5 =	sld [smem:$0x3FFB];
	_ =	sdelay $0x3  }
0x94: {  	_ =	strace s5  }
0x95: {  	s5 =	sld [smem:$0x3FFC];
	_ =	sdelay $0x3  }
0x96: {  	_ =	strace s5  }
0x97: {  	s5 =	sld [smem:$0x3FFD];
	_ =	sdelay $0x3  }
0x98: {  	_ =	strace s5  }
0x99: {  	_ =	strace $0x8FFFFFFF  }
0x9a: {  	s19 =	sld [smem:$0x3FDB];
	_ =	sdelay $0x1  }
0x9b: {  	s6 =	simm.s32 $_scs_section_size  }
0x9c: {  	s7 =	simm.s32 $_size__tile_overlayer_lowered;
	s8 =	simm.s32 $_tile_overlayer_lowered  }
0x9d: {  	s22 =	simm.s32 $0x1BFF;
	s21 =	sshll.u32 s8, $0x1;
	s5 =	sadd.s32 s6, s19  }
0x9e: {  	s9 =	simm.s32 $0x0;
	s20 =	sshll.u32 s7, $0x1;
	s7 =	sadd.s32 s21, s5  }
0x9f: {  	[timem:s9], [sflag:s22] =	dma.local [hbm:s7], s20  }
0xa0: {  	_ =	swait.ge [sflag:s22], s20  }
0xa1: {  	s6 =	ssub.s32 $0x0, s20;
	[sflag:s22] =	ssyncset.done $0x0  }
0xa2: {  	[sflag:s22] =	ssyncadd.s32 s6;
	_ =	sdelay $0x1  }
0xa3: {  	s23 =	simm.s32 $0x1B8B  }
0xa4: {  	_ =	swait.ge [sflag:s23], $0x1  }
0xa5: {  	[sflag:s23] =	ssyncset.done $0x0  }
0xa6: {  	s25 =	simm.s32 $0x1B8E;
	s24 =	sld [smem:$0x3FFE];
	[sflag:s23] =	ssyncadd.s32 $0xFFFFFFFF  }
0xa7: {  	s26 =	simm.s32 $execute0_lowered;
	[smem:$0x3FD2] =	sst s25  }
0xa8: {  	s7 =	sshll.u32 s26, $0x1;
	_ =	strace $0x80000046;
	[dreg:$0x1] =	wrdreg $0xFFFFFFFF  }
0xa9: {  	s28 =	simm.s32 $_size_execute0_lowered;
	s5 =	sadd.s32 s5, s7;
	[dreg:$0x0] =	wrdreg $0x0  }
0xaa: {  	s7 =	sshll.u32 s28, $0x1;
	[dreg:$0x2] =	wrdreg s5  }
0xab: {  	[dreg:$0x3] =	wrdreg s7  }
0xac: {  	[dreg:$0x4] =	wrdreg $0xC0  }
0xad: {  	_ =	task [dreg:s9], $0x5FFFF  }
0xae: {  	[dreg:$0x1] =	wrdreg $0xFFFFFFFF  }
0xaf: {  	[dreg:$0x0] =	wrdreg $0x60  }
0xb0: {  	[dreg:$0x2] =	wrdreg s24  }
0xb1: {  	[dreg:$0x3] =	wrdreg s2  }
0xb2: {  	[dreg:$0x4] =	wrdreg s18  }
0xb3: {  	[dreg:$0x5] =	wrdreg s4  }
0xb4: {  	[dreg:$0x6] =	wrdreg $0x9  }
0xb5: {  	_ =	task.clear_ibuf [dreg:s9], $0x7FFFF;
	_ =	strace $0x90000046  }
0xb6: {  	s29 =	simm.s32 $0x9;
	_ =	strace $0x80000048  }
0xb7: {  	_ =	swait.ge [sflag:s29], $0x1  }
0xb8: {  	[sflag:s29] =	ssyncadd.s32 $0xFFFFFFFF  }
0xb9: {  	_ =	strace $0x90000048  }
0xba: {  	_ =	sfence  }
0xbb: {  	s30 =	sld [smem:$0x0];
	_ =	sdelay $0x2  }
0xbc: {  	s31 =	sshll.u32 s1, $0xD;
	s1 =	sshrl.u32 s1, $0x2  }
0xbd: {  	s3 =	sand.u32 $0x4000, s31;
	s1 =	sadd.s32 s1, s30  }
0xbe: {  	s0 =	sor.u32 s3, s0;
	s1 =	sshll.u32 s1, $0x11  }
0xbf: {  	s0 =	sor.u32 s1, s0  }
0xc0: {  	s0 =	sadd.s32 $0x8F2B, s0  }
0xc1: {  	[sflag:s0] =	ssyncadd.remote.s32 $0x1  }
0xc2: {  	_ =	sfence.sel $0xFFFF  }
0xc3: {  	[dreg:$0x0] =	wrdreg $0xFFFFFFFF;
	(pc) =	sbr.abs _section_cstart, $3  }
0xc4: {  	[dreg:$0x1] =	wrdreg $0xFFFFFFFF  }
0xc5: {  	_ =	task.clear_ibuf [dreg:s9], $0x2FFFF;
	_ =	strace $0x9FFFFFFF  }
0xc6: {  	(tm) =	ssettm $0x7FFFFFFF  }
0xc7: {  	_ =	shalt  }
tec
execute0_lowered:
.L_overlay_start_1:
0x0: {  	(tag) =	ssettag $0x1  }
0x1: {  	s0 =	rddreg [dreg:$0x0]  }
0x2: {  	s1 =	rddreg [dreg:$0x1]  }
0x3: {  	s2 =	rddreg [dreg:$0x2]  }
0x4: {  	s3 =	rddreg [dreg:$0x3]  }
0x5: {  	s5 =	srdreg.scid;
	s6 =	stileid.u32;
	s4 =	simm.s32 $0x0  }
0x6: {  	s21 =	simm.s32 $0x8100;
	s22 =	simm.s32 $0x8900;
	s23 =	simm.s32 $0x9100  }
0x7: {  	s24 =	simm.s32 $0x9900;
	s5 =	sand.u32 $0x1, s5;
	s6 =	sshll.u32 s6, $0x1  }
0x8: {  	[smem:$0x7FF] =	sst s4;
	s9 =	sadd.s32 $0x300, s1;
	s10 =	sadd.s32 $0x400, s1  }
0x9: {  	s11 =	sadd.s32 $0x500, s1;
	s12 =	sadd.s32 $0x600, s1;
	s14 =	sadd.s32 $0x700, s1  }
0xa: {  	s19 =	sadd.s32 $0x40, s3;
	s6 =	sor.u32 s5, s6;
	s5 =	ssub.s32 $0x2, s5  }
0xb: {  	_ =	strace $0x80000047;
	s7 =	sshll.u32 s6, $0x5;
	s26 =	sshll.u32 s6, $0x6  }
0xc: {  	s8 =	sshrl.u32 s5, $0x1;
	s28 =	sshll.u32 s6, $0xE;
	s29 =	sor.u32 $0x800, s26  }
0xd: {  	s0 =	sadd.s32 s7, s0;
	s30 =	sor.u32 $0x1000, s26;
	[dreg:$0x9] =	wrdreg s29  }
0xe: {  	s13 =	ssub.s32 s5, s8;
	s0 =	sadd.s32 $0x400, s0;
	[dreg:$0xa] =	wrdreg s30  }
0xf: {  	s7 =	sadd.s32 $0x100, s1;
	s31 =	smax.u32 s13, $0x1;
	[dreg:$0x5] =	wrdreg s0  }
0x10: {  	v2 =	vlaneseq.u32;
	s8 =	sadd.s32 $0x200, s1;
	s0 =	sadd.s32 s2, s28;
	[dreg:$0x8] =	wrdreg s31  }
0x11: {  	vm0 =	vmmov $0xffff;
	v1 =	vshrl.u32 v2, $0x3;
	s16 =	smov.u32 s26;
	[dreg:$0x6] =	wrdreg s0;
	s0 =	sadd.s32 $0x40, s0  }
0x12: {  	v0 =	vand.u32 $0x7, v2;
	v2 =	vor.u32 $0x8, v2;
	v1 =	vmul.u32 $0x8, v1;
	s18 =	sor.u32 $0x1800, s26;
	s2 =	simm.s32 $0x0;
	[dreg:$0x7] =	wrdreg s0  }
.LBB2_1:
0x13: {  	[dreg:$0xb] =	wrdreg s2  }
0x14: {  	s0 =	rddreg [dreg:$0x5];
	s3 =	simm.s32 $0x7  }
0x15: {  	[tilespmem:s4], [sflag:$0x7] =	stream.linear.gather [hbm4b:s0+s4], $0x100, $0x38;
	[tilespmem:$0x14100] =	vst v63  }
0x16: {  	_ =	swait.ge [sflag:s3], $0x100  }
0x17: {  	[sflag:s3] =	ssyncset.done $0x0  }
0x18: {  	[sflag:s3] =	ssyncadd.s32 $0xFFFFFF00  }
0x19: {  	v3 =	vld [tilespmem:$0x0];
	_ =	sdelay $0x4  }
0x1a: {  	v4 =	vshll.u32 v3, $0x4  }
0x1b: {  	v3 =	vand.u32 $0x7, v3;
	v4 =	vand.u32 $0xFFFFFF80, v4  }
0x1c: {  	v3 =	vor.u32 v3, v4  }
0x1d: {  	v4 =	vperm.xlane v3, v0;
	_ =	sdelay $0x1  }
0x1e: {  	v4 =	vadd.s32 v1, v4;
	_ =	sdelay $0x3  }
0x1f: {  	s5 =	simm.s32 $0x100;
	s1 =	rddreg [dreg:$0x1]  }
0x20: {  	[tilespmem:s5], [sflag:$0x1] =	stream.indirect_vreg.gather [hbm4b:s1+s4], $0x80, v4, vm0, $0xb8;
	[tilespmem:$0x14100] =	vst v63  }
0x21: {  	s6 =	simm.s32 $0x900  }
0x22: {  	[tilespmem:s6], [sflag:$0x1] =	stream.indirect_vreg.gather [hbm4b:s7+s4], $0x80, v4, vm0, $0xb8;
	[tilespmem:$0x14100] =	vst v63  }
0x23: {  	s13 =	simm.s32 $0x1100  }
0x24: {  	[tilespmem:s13], [sflag:$0x1] =	stream.indirect_vreg.gather [hbm4b:s8+s4], $0x80, v4, vm0, $0xb8;
	[tilespmem:$0x14100] =	vst v63  }
0x25: {  	s15 =	simm.s32 $0x1900  }
0x26: {  	[tilespmem:s15], [sflag:$0x1] =	stream.indirect_vreg.gather [hbm4b:s9+s4], $0x80, v4, vm0, $0xb8;
	[tilespmem:$0x14100] =	vst v63  }
0x27: {  	s17 =	simm.s32 $0x2100  }
0x28: {  	[tilespmem:s17], [sflag:$0x1] =	stream.indirect_vreg.gather [hbm4b:s10+s4], $0x80, v4, vm0, $0xb8;
	[tilespmem:$0x14100] =	vst v63  }
0x29: {  	s20 =	simm.s32 $0x2900;
	v3 =	vperm.xlane v3, v2  }
0x2a: {  	[tilespmem:s20], [sflag:$0x1] =	stream.indirect_vreg.gather [hbm4b:s11+s4], $0x80, v4, vm0, $0xb8;
	[tilespmem:$0x14100] =	vst v63  }
0x2b: {  	s25 =	simm.s32 $0x3100;
	v3 =	vadd.s32 v1, v3  }
0x2c: {  	[tilespmem:s25], [sflag:$0x1] =	stream.indirect_vreg.gather [hbm4b:s12+s4], $0x80, v4, vm0, $0xb8;
	[tilespmem:$0x14100] =	vst v63  }
0x2d: {  	s26 =	simm.s32 $0x3900  }
0x2e: {  	[tilespmem:s26], [sflag:$0x1] =	stream.indirect_vreg.gather [hbm4b:s14+s4], $0x80, v4, vm0, $0xb8;
	[tilespmem:$0x14100] =	vst v63  }
0x2f: {  	s2 =	simm.s32 $0x4100  }
0x30: {  	[tilespmem:s2], [sflag:$0x1] =	stream.indirect_vreg.gather [hbm4b:s1+s4], $0x80, v3, vm0, $0xb8;
	[tilespmem:$0x14100] =	vst v63  }
0x31: {  	s3 =	simm.s32 $0x4900  }
0x32: {  	[tilespmem:s3], [sflag:$0x1] =	stream.indirect_vreg.gather [hbm4b:s7+s4], $0x80, v3, vm0, $0xb8;
	[tilespmem:$0x14100] =	vst v63  }
0x33: {  	s31 =	simm.s32 $0x0;
	s5 =	simm.s32 $0x5100  }
0x34: {  	[tilespmem:s5], [sflag:$0x1] =	stream.indirect_vreg.gather [hbm4b:s8+s4], $0x80, v3, vm0, $0xb8;
	[tilespmem:$0x14100] =	vst v63  }
0x35: {  	s28 =	simm.s32 $0xC100;
	s29 =	simm.s32 $0xC900;
	s6 =	simm.s32 $0x5900  }
0x36: {  	[tilespmem:s6], [sflag:$0x1] =	stream.indirect_vreg.gather [hbm4b:s9+s4], $0x80, v3, vm0, $0xb8;
	[tilespmem:$0x14100] =	vst v63  }
0x37: {  	s30 =	simm.s32 $0xD900;
	s13 =	simm.s32 $0x6100;
	s15 =	simm.s32 $0x6900  }
0x38: {  	[tilespmem:s13], [sflag:$0x1] =	stream.indirect_vreg.gather [hbm4b:s10+s4], $0x80, v3, vm0, $0xb8;
	[tilespmem:$0x14100] =	vst v63  }
0x39: {  	s17 =	simm.s32 $0x7100;
	s20 =	simm.s32 $0x7900;
	s25 =	rddreg [dreg:$0x6]  }
0x3a: {  	[tilespmem:s15], [sflag:$0x1] =	stream.indirect_vreg.gather [hbm4b:s11+s4], $0x80, v3, vm0, $0xb8;
	[tilespmem:$0x14100] =	vst v63  }
0x3b: {  	s26 =	simm.s32 $0x200;
	s1 =	simm.s32 $0xE900;
	s3 =	simm.s32 $0xE100  }
0x3c: {  	[tilespmem:s17], [sflag:$0x1] =	stream.indirect_vreg.gather [hbm4b:s12+s4], $0x80, v3, vm0, $0xb8;
	[tilespmem:$0x14100] =	vst v63  }
0x3d: {  	s5 =	simm.s32 $0xF100;
	s6 =	simm.s32 $0x400;
	s13 =	simm.s32 $0xD100  }
0x3e: {  	[tilespmem:s20], [sflag:$0x1] =	stream.indirect_vreg.gather [hbm4b:s14+s4], $0x80, v3, vm0, $0xb8;
	[tilespmem:$0x14100] =	vst v63  }
0x3f: {  	s15 =	simm.s32 $0xB100;
	s17 =	simm.s32 $0xF900;
	s20 =	simm.s32 $0x10100  }
0x40: {  	[tilespmem:s20], [sflag:$0x3] =	stream.strided.gather [hbm4b:s25+s26], $0x2000, s6, s26, $0x38;
	[tilespmem:$0x14100] =	vst v63  }
0x41: {  	s20 =	simm.s32 $0xA100;
	s25 =	simm.s32 $0xA900;
	s26 =	simm.s32 $0xB900  }
.LBB2_2:
0x42: {  	p0 =	seq.s32 s31, $0x0  }
0x43: {  	s2 =	simm.s32 @!p0 $0x6  }
0x44: {  	s0 =	sshllo.u32 s31, $0x1;
	_ =	swait.ge @!p0 [sflag:s2], $0x8000  }
0x45: {  	s6 =	sshll.u32 s0, $0x4;
	[sflag:s2] =	ssyncset.done @!p0 $0x0  }
0x46: {  	s6 =	sand.u32 $0x3FFFFFF0, s6;
	[sflag:s2] =	ssyncadd.s32 @!p0 $0xFFFF8000  }
0x47: {  	v3 =	vld [tilespmem:s6+$0x0];
	_ =	sdelay $0x4  }
0x48: {  	v4 =	vshll.u32 v3, $0x4  }
0x49: {  	v3 =	vand.u32 $0x7, v3;
	v4 =	vand.u32 $0xFFFFFF80, v4  }
0x4a: {  	v3 =	vor.u32 v3, v4  }
0x4b: {  	v4 =	vperm.xlane v3, v0;
	_ =	sdelay $0x1  }
0x4c: {  	v4 =	vadd.s32 v1, v4;
	_ =	sdelay $0x3  }
0x4d: {  	s6 =	simm.s32 $0x0;
	s2 =	rddreg [dreg:$0x1]  }
0x4e: {  	[tilespmem:s21], [sflag:$0x2] =	stream.indirect_vreg.gather [hbm4b:s2+s6], $0x80, v4, vm0, $0xb8;
	[tilespmem:$0x14100] =	vst v63  }
0x4f: {  	_ = 	snop  }
0x50: {  	[tilespmem:s22], [sflag:$0x2] =	stream.indirect_vreg.gather [hbm4b:s7+s6], $0x80, v4, vm0, $0xb8;
	[tilespmem:$0x14100] =	vst v63  }
0x51: {  	_ = 	snop  }
0x52: {  	[tilespmem:s23], [sflag:$0x2] =	stream.indirect_vreg.gather [hbm4b:s8+s6], $0x80, v4, vm0, $0xb8;
	[tilespmem:$0x14100] =	vst v63  }
0x53: {  	_ = 	snop  }
0x54: {  	[tilespmem:s24], [sflag:$0x2] =	stream.indirect_vreg.gather [hbm4b:s9+s6], $0x80, v4, vm0, $0xb8;
	[tilespmem:$0x14100] =	vst v63  }
0x55: {  	_ = 	snop  }
0x56: {  	[tilespmem:s20], [sflag:$0x2] =	stream.indirect_vreg.gather [hbm4b:s10+s6], $0x80, v4, vm0, $0xb8;
	[tilespmem:$0x14100] =	vst v63  }
0x57: {  	v3 =	vperm.xlane v3, v2  }
0x58: {  	[tilespmem:s25], [sflag:$0x2] =	stream.indirect_vreg.gather [hbm4b:s11+s6], $0x80, v4, vm0, $0xb8;
	[tilespmem:$0x14100] =	vst v63  }
0x59: {  	v3 =	vadd.s32 v1, v3  }
0x5a: {  	[tilespmem:s15], [sflag:$0x2] =	stream.indirect_vreg.gather [hbm4b:s12+s6], $0x80, v4, vm0, $0xb8;
	[tilespmem:$0x14100] =	vst v63  }
0x5b: {  	_ = 	snop  }
0x5c: {  	[tilespmem:s26], [sflag:$0x2] =	stream.indirect_vreg.gather [hbm4b:s14+s6], $0x80, v4, vm0, $0xb8;
	[tilespmem:$0x14100] =	vst v63  }
0x5d: {  	_ = 	snop  }
0x5e: {  	[tilespmem:s28], [sflag:$0x2] =	stream.indirect_vreg.gather [hbm4b:s2+s6], $0x80, v3, vm0, $0xb8;
	[tilespmem:$0x14100] =	vst v63  }
0x5f: {  	_ = 	snop  }
0x60: {  	[tilespmem:s29], [sflag:$0x2] =	stream.indirect_vreg.gather [hbm4b:s7+s6], $0x80, v3, vm0, $0xb8;
	[tilespmem:$0x14100] =	vst v63  }
0x61: {  	_ = 	snop  }
0x62: {  	[tilespmem:s13], [sflag:$0x2] =	stream.indirect_vreg.gather [hbm4b:s8+s6], $0x80, v3, vm0, $0xb8;
	[tilespmem:$0x14100] =	vst v63  }
0x63: {  	_ = 	snop  }
0x64: {  	[tilespmem:s30], [sflag:$0x2] =	stream.indirect_vreg.gather [hbm4b:s9+s6], $0x80, v3, vm0, $0xb8;
	[tilespmem:$0x14100] =	vst v63  }
0x65: {  	_ = 	snop  }
0x66: {  	[tilespmem:s3], [sflag:$0x2] =	stream.indirect_vreg.gather [hbm4b:s10+s6], $0x80, v3, vm0, $0xb8;
	[tilespmem:$0x14100] =	vst v63  }
0x67: {  	_ = 	snop  }
0x68: {  	[tilespmem:s1], [sflag:$0x2] =	stream.indirect_vreg.gather [hbm4b:s11+s6], $0x80, v3, vm0, $0xb8;
	[tilespmem:$0x14100] =	vst v63  }
0x69: {  	s22 =	simm.s32 $0x12100  }
0x6a: {  	[tilespmem:s5], [sflag:$0x2] =	stream.indirect_vreg.gather [hbm4b:s12+s6], $0x80, v3, vm0, $0xb8;
	[tilespmem:$0x14100] =	vst v63  }
0x6b: {  	s23 =	simm.s32 $0x1;
	s13 =	rddreg [dreg:$0x7];
	s5 =	sshll.u32 s31, $0xB  }
0x6c: {  	[tilespmem:s17], [sflag:$0x2] =	stream.indirect_vreg.gather [hbm4b:s14+s6], $0x80, v3, vm0, $0xb8;
	[tilespmem:$0x14100] =	vst v63  }
0x6d: {  	s15 =	simm.s32 $0x200;
	s2 =	sadd.s32 s5, s13;
	s17 =	simm.s32 $0x400  }
0x6e: {  	[tilespmem:s22], [sflag:$0x4] =	stream.strided.gather [hbm4b:s2+s15], $0x2000, s17, s15, $0x38;
	[tilespmem:$0x14100] =	vst v63  }
0x6f: {  	_ =	swait.ge [sflag:s23], $0x8000  }
0x70: {  	[sflag:s23] =	ssyncset.done $0x0  }
0x71: {  	s24 =	simm.s32 $0x3;
	[sflag:s23] =	ssyncadd.s32 $0xFFFF8000  }
0x72: {  	s25 =	simm.s32 $0x0;
	s26 =	sand.u32 $0x70, s6;
	_ =	swait.ge [sflag:s24], $0x2000  }
0x73: {  	s28 =	simm.s32 $0x0;
	s2 =	sand.u32 $0x3FFFFC00, s25;
	[sflag:s24] =	ssyncset.done $0x0  }
0x74: {  	s29 =	sand.u32 $0x3FFFFE00, s28;
	s20 =	sor.u32 s26, s2;
	[sflag:s24] =	ssyncadd.s32 $0xFFFFE000  }
0x75: {  	s30 =	sor.u32 s26, s29;
	v3 =	vld [tilespmem:s20+$0x300]  }
0x76: {  	v4 =	vld [tilespmem:s30+$0x10100]  }
0x77: {  	v5 =	vld [tilespmem:s20+$0x4300]  }
0x78: {  	v6 =	vld [tilespmem:s20+$0x100]  }
0x79: {  	v7 =	vld [tilespmem:s20+$0x4100];
	_ =	sdelay $0x1  }
0x7a: {  	v3 =	vadd.f32 v3, v4  }
0x7b: {  	v5 =	vadd.f32 v5, v4  }
0x7c: {  	[tilespmem:s20+$0x300] =	vst v3;
	v3 =	vadd.f32 v6, v4  }
0x7d: {  	[tilespmem:s20+$0x4300] =	vst v5;
	v4 =	vadd.f32 v7, v4  }
0x7e: {  	[tilespmem:s20+$0x100] =	vst v3  }
0x7f: {  	s22 =	sadd.s32 $0x10100, s30;
	[tilespmem:s20+$0x4100] =	vst v4;
	v4 =	vld [tilespmem:s20+$0x180]  }
0x80: {  	v6 =	vld [tilespmem:s22+$0x80]  }
0x81: {  	v3 =	vld [tilespmem:s20+$0x380]  }
0x82: {  	v5 =	vld [tilespmem:s20+$0x4380]  }
0x83: {  	v7 =	vld [tilespmem:s20+$0x4180];
	_ =	sdelay $0x1  }
0x84: {  	v4 =	vadd.f32 v4, v6  }
0x85: {  	v3 =	vadd.f32 v3, v6  }
0x86: {  	v5 =	vadd.f32 v5, v6;
	[tilespmem:s20+$0x180] =	vst v4  }
0x87: {  	v4 =	vadd.f32 v7, v6;
	[tilespmem:s20+$0x380] =	vst v3  }
0x88: {  	v7 =	vld [tilespmem:s20+$0x400];
	[tilespmem:s20+$0x4380] =	vst v5  }
0x89: {  	v6 =	vld [tilespmem:s20+$0x200];
	[tilespmem:s20+$0x4180] =	vst v4  }
0x8a: {  	v4 =	vld [tilespmem:s22+$0x100]  }
0x8b: {  	v3 =	vld [tilespmem:s20+$0x4400]  }
0x8c: {  	v5 =	vld [tilespmem:s20+$0x4200];
	_ =	sdelay $0x2  }
0x8d: {  	s21 =	simm.s32 $0x1;
	s2 =	sshll.u32 s31, $0x1;
	v6 =	vadd.f32 v6, v4;
	v7 =	vadd.f32 v7, v4  }
.LBB2_3:
0x8e: {  	p0 =	sne.s32 s21, $0x7F  }
0x8f: {  	v5 =	vadd.f32 v5, v4;
	v3 =	vadd.f32 v3, v4;
	s6 =	sadd.s32 $0x10, s6;
	s23 =	smov.u32 s21;
	s21 =	sadd.s32 $0x1, s21  }
0x90: {  	[tilespmem:s20+$0x400] =	vst v7  }
0x91: {  	[tilespmem:s20+$0x200] =	vst v6;
	v4 =	vld [tilespmem:s20+$0x280]  }
0x92: {  	[tilespmem:s20+$0x4400] =	vst v3;
	v3 =	vld [tilespmem:s20+$0x4480]  }
0x93: {  	[tilespmem:s20+$0x4200] =	vst v5;
	v5 =	vld [tilespmem:s20+$0x480]  }
0x94: {  	v6 =	vld [tilespmem:s22+$0x180]  }
0x95: {  	v7 =	vld [tilespmem:s20+$0x4280];
	_ =	sdelay $0x3  }
0x96: {  	s24 =	sshll.u32 s23, $0x6;
	s23 =	sshll.u32 s23, $0x7;
	s22 =	sand.u32 $0x70, s6;
	v4 =	vadd.f32 v4, v6;
	v5 =	vadd.f32 v5, v6  }
0x97: {  	s24 =	sand.u32 $0x3FFFFE00, s24;
	s23 =	sand.u32 $0x3FFFFC00, s23;
	v3 =	vadd.f32 v3, v6;
	v7 =	vadd.f32 v7, v6  }
0x98: {  	s24 =	sor.u32 s22, s24;
	s22 =	sor.u32 s22, s23;
	[tilespmem:s20+$0x280] =	vst v4  }
0x99: {  	v4 =	vld [tilespmem:s22+$0x4300];
	[tilespmem:s20+$0x480] =	vst v5  }
0x9a: {  	v5 =	vld [tilespmem:s22+$0x4100];
	[tilespmem:s20+$0x4480] =	vst v3  }
0x9b: {  	v3 =	vld [tilespmem:s22+$0x300];
	[tilespmem:s20+$0x4280] =	vst v7;
	s20 =	smov.u32 s22  }
0x9c: {  	v6 =	vld [tilespmem:s24+$0x10100]  }
0x9d: {  	v7 =	vld [tilespmem:s20+$0x100];
	_ =	sdelay $0x3  }
0x9e: {  	v3 =	vadd.f32 v3, v6  }
0x9f: {  	v5 =	vadd.f32 v5, v6;
	v4 =	vadd.f32 v4, v6  }
0xa0: {  	v6 =	vadd.f32 v7, v6;
	[tilespmem:s20+$0x300] =	vst v3  }
0xa1: {  	[tilespmem:s20+$0x4300] =	vst v4;
	v3 =	vld [tilespmem:s20+$0x4380]  }
0xa2: {  	[tilespmem:s20+$0x100] =	vst v6;
	v4 =	vld [tilespmem:s20+$0x380]  }
0xa3: {  	s22 =	sadd.s32 $0x10100, s24;
	[tilespmem:s20+$0x4100] =	vst v5;
	v5 =	vld [tilespmem:s20+$0x180]  }
0xa4: {  	v6 =	vld [tilespmem:s22+$0x80]  }
0xa5: {  	v7 =	vld [tilespmem:s20+$0x4180];
	_ =	sdelay $0x3  }
0xa6: {  	v5 =	vadd.f32 v5, v6;
	v4 =	vadd.f32 v4, v6  }
0xa7: {  	v7 =	vadd.f32 v7, v6;
	v6 =	vadd.f32 v3, v6  }
0xa8: {  	[tilespmem:s20+$0x180] =	vst v5  }
0xa9: {  	[tilespmem:s20+$0x380] =	vst v4;
	v3 =	vld [tilespmem:s20+$0x4400]  }
0xaa: {  	[tilespmem:s20+$0x4180] =	vst v7;
	v7 =	vld [tilespmem:s20+$0x400]  }
0xab: {  	[tilespmem:s20+$0x4380] =	vst v6;
	v6 =	vld [tilespmem:s20+$0x200]  }
0xac: {  	v4 =	vld [tilespmem:s22+$0x100]  }
.Ltmp0:
0xad: {  	v5 =	vld [tilespmem:s20+$0x4200];
	(pc) =	sbr.rel @p0 .LBB2_3-.Ltmp0, $2  }
0xae: {  	_ =	sdelay $0x2  }
0xaf: {  	v6 =	vadd.f32 v6, v4;
	v7 =	vadd.f32 v7, v4  }
0xb0: {  	_ = 	snop  }
0xb1: {  	v3 =	vadd.f32 v3, v4;
	[tilespmem:s20+$0x400] =	vst v7  }
0xb2: {  	v4 =	vadd.f32 v5, v4;
	[tilespmem:s20+$0x200] =	vst v6  }
0xb3: {  	[tilespmem:s20+$0x4400] =	vst v3  }
0xb4: {  	v6 =	vld [tilespmem:s20+$0x280];
	[tilespmem:s20+$0x4200] =	vst v4  }
0xb5: {  	v4 =	vld [tilespmem:s22+$0x180]  }
0xb6: {  	v5 =	vld [tilespmem:s20+$0x480]  }
0xb7: {  	v3 =	vld [tilespmem:s20+$0x4480]  }
0xb8: {  	v7 =	vld [tilespmem:s20+$0x4280];
	_ =	sdelay $0x1  }
0xb9: {  	v6 =	vadd.f32 v6, v4  }
0xba: {  	v5 =	vadd.f32 v5, v4  }
0xbb: {  	s6 =	sshll.u32 s31, $0x3;
	v3 =	vadd.f32 v3, v4;
	[tilespmem:s20+$0x280] =	vst v6  }
0xbc: {  	s21 =	sadd.s32 s16, s6;
	v4 =	vadd.f32 v7, v4;
	[tilespmem:s20+$0x480] =	vst v5  }
0xbd: {  	s3 =	rddreg [dreg:$0x3];
	s21 =	sshll.u32 s21, $0x8;
	[tilespmem:s20+$0x4480] =	vst v3  }
0xbe: {  	s5 =	simm.s32 $0x100;
	[tilespmem:s20+$0x4280] =	vst v4;
	s20 =	sadd.s32 s3, s21  }
0xbf: {  	[hbm4b:s20+s4] =	stream.linear.scatter [tilespmem:s5], [sflag:$0x5], $0x200, $0x38;
	[tilespmem:$0x14100] =	vst v63  }
0xc0: {  	s1 =	simm.s32 $0x500;
	s13 =	sadd.s32 $0x80, s20  }
0xc1: {  	[hbm4b:s13+s4] =	stream.linear.scatter [tilespmem:s1], [sflag:$0x5], $0x200, $0x38;
	[tilespmem:$0x14100] =	vst v63  }
0xc2: {  	s17 =	simm.s32 $0x900;
	s15 =	sadd.s32 $0x100, s20  }
0xc3: {  	[hbm4b:s15+s4] =	stream.linear.scatter [tilespmem:s17], [sflag:$0x5], $0x200, $0x38;
	[tilespmem:$0x14100] =	vst v63  }
0xc4: {  	s24 =	simm.s32 $0xD00;
	s23 =	sadd.s32 $0x180, s20  }
0xc5: {  	[hbm4b:s23+s4] =	stream.linear.scatter [tilespmem:s24], [sflag:$0x5], $0x200, $0x38;
	[tilespmem:$0x14100] =	vst v63  }
0xc6: {  	s26 =	simm.s32 $0x1100;
	s25 =	sadd.s32 $0x200, s20  }
0xc7: {  	[hbm4b:s25+s4] =	stream.linear.scatter [tilespmem:s26], [sflag:$0x5], $0x200, $0x38;
	[tilespmem:$0x14100] =	vst v63  }
0xc8: {  	s29 =	simm.s32 $0x1500;
	s28 =	sadd.s32 $0x280, s20  }
0xc9: {  	[hbm4b:s28+s4] =	stream.linear.scatter [tilespmem:s29], [sflag:$0x5], $0x200, $0x38;
	[tilespmem:$0x14100] =	vst v63  }
0xca: {  	s30 =	sadd.s32 $0x300, s20;
	s1 =	simm.s32 $0x1900  }
0xcb: {  	[hbm4b:s30+s4] =	stream.linear.scatter [tilespmem:s1], [sflag:$0x5], $0x200, $0x38;
	[tilespmem:$0x14100] =	vst v63  }
0xcc: {  	s5 =	sadd.s32 $0x380, s20;
	s13 =	simm.s32 $0x1D00  }
0xcd: {  	[hbm4b:s5+s4] =	stream.linear.scatter [tilespmem:s13], [sflag:$0x5], $0x200, $0x38;
	[tilespmem:$0x14100] =	vst v63  }
0xce: {  	s15 =	sadd.s32 $0x400, s20;
	s17 =	simm.s32 $0x2100  }
0xcf: {  	[hbm4b:s15+s4] =	stream.linear.scatter [tilespmem:s17], [sflag:$0x5], $0x200, $0x38;
	[tilespmem:$0x14100] =	vst v63  }
0xd0: {  	s22 =	sadd.s32 $0x480, s20;
	s23 =	simm.s32 $0x2500  }
0xd1: {  	[hbm4b:s22+s4] =	stream.linear.scatter [tilespmem:s23], [sflag:$0x5], $0x200, $0x38;
	[tilespmem:$0x14100] =	vst v63  }
0xd2: {  	s24 =	sadd.s32 $0x500, s20;
	s25 =	simm.s32 $0x2900  }
0xd3: {  	[hbm4b:s24+s4] =	stream.linear.scatter [tilespmem:s25], [sflag:$0x5], $0x200, $0x38;
	[tilespmem:$0x14100] =	vst v63  }
0xd4: {  	s26 =	sadd.s32 $0x580, s20;
	s28 =	simm.s32 $0x2D00  }
0xd5: {  	[hbm4b:s26+s4] =	stream.linear.scatter [tilespmem:s28], [sflag:$0x5], $0x200, $0x38;
	[tilespmem:$0x14100] =	vst v63  }
0xd6: {  	s29 =	sadd.s32 $0x600, s20;
	s30 =	simm.s32 $0x3100  }
0xd7: {  	[hbm4b:s29+s4] =	stream.linear.scatter [tilespmem:s30], [sflag:$0x5], $0x200, $0x38;
	[tilespmem:$0x14100] =	vst v63  }
0xd8: {  	s1 =	sadd.s32 $0x680, s20;
	s5 =	simm.s32 $0x3500  }
0xd9: {  	[hbm4b:s1+s4] =	stream.linear.scatter [tilespmem:s5], [sflag:$0x5], $0x200, $0x38;
	[tilespmem:$0x14100] =	vst v63  }
0xda: {  	s21 =	rddreg [dreg:$0x9];
	s13 =	sadd.s32 $0x700, s20;
	s15 =	simm.s32 $0x3900  }
0xdb: {  	[hbm4b:s13+s4] =	stream.linear.scatter [tilespmem:s15], [sflag:$0x5], $0x200, $0x38;
	[tilespmem:$0x14100] =	vst v63  }
0xdc: {  	s20 =	sadd.s32 $0x780, s20;
	s17 =	simm.s32 $0x3D00;
	s22 =	sadd.s32 s21, s6  }
0xdd: {  	[hbm4b:s20+s4] =	stream.linear.scatter [tilespmem:s17], [sflag:$0x5], $0x200, $0x38;
	[tilespmem:$0x14100] =	vst v63  }
0xde: {  	s20 =	sshll.u32 s22, $0x8  }
0xdf: {  	s20 =	sand.u32 $0x1FFFF800, s20  }
0xe0: {  	s23 =	simm.s32 $0x300;
	s20 =	sadd.s32 s3, s20  }
0xe1: {  	[hbm4b:s20+s4] =	stream.linear.scatter [tilespmem:s23], [sflag:$0x5], $0x200, $0x38;
	[tilespmem:$0x14100] =	vst v63  }
0xe2: {  	s25 =	simm.s32 $0x700;
	s24 =	sadd.s32 $0x80, s20  }
0xe3: {  	[hbm4b:s24+s4] =	stream.linear.scatter [tilespmem:s25], [sflag:$0x5], $0x200, $0x38;
	[tilespmem:$0x14100] =	vst v63  }
0xe4: {  	s28 =	simm.s32 $0xB00;
	s26 =	sadd.s32 $0x100, s20  }
0xe5: {  	[hbm4b:s26+s4] =	stream.linear.scatter [tilespmem:s28], [sflag:$0x5], $0x200, $0x38;
	[tilespmem:$0x14100] =	vst v63  }
0xe6: {  	s30 =	simm.s32 $0xF00;
	s29 =	sadd.s32 $0x180, s20  }
0xe7: {  	[hbm4b:s29+s4] =	stream.linear.scatter [tilespmem:s30], [sflag:$0x5], $0x200, $0x38;
	[tilespmem:$0x14100] =	vst v63  }
0xe8: {  	s13 =	simm.s32 $0x1300;
	s5 =	sadd.s32 $0x200, s20  }
0xe9: {  	[hbm4b:s5+s4] =	stream.linear.scatter [tilespmem:s13], [sflag:$0x5], $0x200, $0x38;
	[tilespmem:$0x14100] =	vst v63  }
0xea: {  	s17 =	simm.s32 $0x1700;
	s15 =	sadd.s32 $0x280, s20  }
0xeb: {  	[hbm4b:s15+s4] =	stream.linear.scatter [tilespmem:s17], [sflag:$0x5], $0x200, $0x38;
	[tilespmem:$0x14100] =	vst v63  }
0xec: {  	s22 =	sadd.s32 $0x300, s20;
	s23 =	simm.s32 $0x1B00  }
0xed: {  	[hbm4b:s22+s4] =	stream.linear.scatter [tilespmem:s23], [sflag:$0x5], $0x200, $0x38;
	[tilespmem:$0x14100] =	vst v63  }
0xee: {  	s24 =	sadd.s32 $0x380, s20;
	s25 =	simm.s32 $0x1F00  }
0xef: {  	[hbm4b:s24+s4] =	stream.linear.scatter [tilespmem:s25], [sflag:$0x5], $0x200, $0x38;
	[tilespmem:$0x14100] =	vst v63  }
0xf0: {  	s26 =	sadd.s32 $0x400, s20;
	s28 =	simm.s32 $0x2300  }
0xf1: {  	[hbm4b:s26+s4] =	stream.linear.scatter [tilespmem:s28], [sflag:$0x5], $0x200, $0x38;
	[tilespmem:$0x14100] =	vst v63  }
0xf2: {  	s29 =	sadd.s32 $0x480, s20;
	s30 =	simm.s32 $0x2700  }
0xf3: {  	[hbm4b:s29+s4] =	stream.linear.scatter [tilespmem:s30], [sflag:$0x5], $0x200, $0x38;
	[tilespmem:$0x14100] =	vst v63  }
0xf4: {  	s1 =	sadd.s32 $0x500, s20;
	s5 =	simm.s32 $0x2B00  }
0xf5: {  	[hbm4b:s1+s4] =	stream.linear.scatter [tilespmem:s5], [sflag:$0x5], $0x200, $0x38;
	[tilespmem:$0x14100] =	vst v63  }
0xf6: {  	s13 =	sadd.s32 $0x580, s20;
	s15 =	simm.s32 $0x2F00  }
0xf7: {  	[hbm4b:s13+s4] =	stream.linear.scatter [tilespmem:s15], [sflag:$0x5], $0x200, $0x38;
	[tilespmem:$0x14100] =	vst v63  }
0xf8: {  	s17 =	sadd.s32 $0x600, s20;
	s22 =	simm.s32 $0x3300  }
0xf9: {  	[hbm4b:s17+s4] =	stream.linear.scatter [tilespmem:s22], [sflag:$0x5], $0x200, $0x38;
	[tilespmem:$0x14100] =	vst v63  }
0xfa: {  	s23 =	sadd.s32 $0x680, s20;
	s24 =	simm.s32 $0x3700  }
0xfb: {  	[hbm4b:s23+s4] =	stream.linear.scatter [tilespmem:s24], [sflag:$0x5], $0x200, $0x38;
	[tilespmem:$0x14100] =	vst v63  }
0xfc: {  	s25 =	sadd.s32 $0x700, s20;
	s26 =	simm.s32 $0x3B00;
	s29 =	rddreg [dreg:$0xa]  }
0xfd: {  	[hbm4b:s25+s4] =	stream.linear.scatter [tilespmem:s26], [sflag:$0x5], $0x200, $0x38;
	[tilespmem:$0x14100] =	vst v63  }
0xfe: {  	s20 =	sadd.s32 $0x780, s20;
	s28 =	simm.s32 $0x3F00;
	s30 =	sadd.s32 s29, s6  }
0xff: {  	[hbm4b:s20+s4] =	stream.linear.scatter [tilespmem:s28], [sflag:$0x5], $0x200, $0x38;
	[tilespmem:$0x14100] =	vst v63  }
0x100: {  	s20 =	sshll.u32 s30, $0x8  }
0x101: {  	s20 =	sand.u32 $0x1FFFF800, s20  }
0x102: {  	s1 =	simm.s32 $0x4100;
	s20 =	sadd.s32 s3, s20  }
0x103: {  	[hbm4b:s20+s4] =	stream.linear.scatter [tilespmem:s1], [sflag:$0x5], $0x200, $0x38;
	[tilespmem:$0x14100] =	vst v63  }
0x104: {  	s13 =	simm.s32 $0x4500;
	s5 =	sadd.s32 $0x80, s20  }
0x105: {  	[hbm4b:s5+s4] =	stream.linear.scatter [tilespmem:s13], [sflag:$0x5], $0x200, $0x38;
	[tilespmem:$0x14100] =	vst v63  }
0x106: {  	s17 =	simm.s32 $0x4900;
	s15 =	sadd.s32 $0x100, s20  }
0x107: {  	[hbm4b:s15+s4] =	stream.linear.scatter [tilespmem:s17], [sflag:$0x5], $0x200, $0x38;
	[tilespmem:$0x14100] =	vst v63  }
0x108: {  	s24 =	simm.s32 $0x4D00;
	s23 =	sadd.s32 $0x180, s20  }
0x109: {  	[hbm4b:s23+s4] =	stream.linear.scatter [tilespmem:s24], [sflag:$0x5], $0x200, $0x38;
	[tilespmem:$0x14100] =	vst v63  }
0x10a: {  	s26 =	simm.s32 $0x5100;
	s25 =	sadd.s32 $0x200, s20  }
0x10b: {  	[hbm4b:s25+s4] =	stream.linear.scatter [tilespmem:s26], [sflag:$0x5], $0x200, $0x38;
	[tilespmem:$0x14100] =	vst v63  }
0x10c: {  	s29 =	simm.s32 $0x5500;
	s28 =	sadd.s32 $0x280, s20  }
0x10d: {  	[hbm4b:s28+s4] =	stream.linear.scatter [tilespmem:s29], [sflag:$0x5], $0x200, $0x38;
	[tilespmem:$0x14100] =	vst v63  }
0x10e: {  	s30 =	sadd.s32 $0x300, s20;
	s1 =	simm.s32 $0x5900  }
0x10f: {  	[hbm4b:s30+s4] =	stream.linear.scatter [tilespmem:s1], [sflag:$0x5], $0x200, $0x38;
	[tilespmem:$0x14100] =	vst v63  }
0x110: {  	s5 =	sadd.s32 $0x380, s20;
	s13 =	simm.s32 $0x5D00  }
0x111: {  	[hbm4b:s5+s4] =	stream.linear.scatter [tilespmem:s13], [sflag:$0x5], $0x200, $0x38;
	[tilespmem:$0x14100] =	vst v63  }
0x112: {  	s15 =	sadd.s32 $0x400, s20;
	s17 =	simm.s32 $0x6100  }
0x113: {  	[hbm4b:s15+s4] =	stream.linear.scatter [tilespmem:s17], [sflag:$0x5], $0x200, $0x38;
	[tilespmem:$0x14100] =	vst v63  }
0x114: {  	s23 =	sadd.s32 $0x480, s20;
	s24 =	simm.s32 $0x6500  }
0x115: {  	[hbm4b:s23+s4] =	stream.linear.scatter [tilespmem:s24], [sflag:$0x5], $0x200, $0x38;
	[tilespmem:$0x14100] =	vst v63  }
0x116: {  	s25 =	sadd.s32 $0x500, s20;
	s26 =	simm.s32 $0x6900  }
0x117: {  	[hbm4b:s25+s4] =	stream.linear.scatter [tilespmem:s26], [sflag:$0x5], $0x200, $0x38;
	[tilespmem:$0x14100] =	vst v63  }
0x118: {  	s28 =	sadd.s32 $0x580, s20;
	s29 =	simm.s32 $0x6D00  }
0x119: {  	[hbm4b:s28+s4] =	stream.linear.scatter [tilespmem:s29], [sflag:$0x5], $0x200, $0x38;
	[tilespmem:$0x14100] =	vst v63  }
0x11a: {  	s30 =	sadd.s32 $0x600, s20;
	s1 =	simm.s32 $0x7100  }
0x11b: {  	[hbm4b:s30+s4] =	stream.linear.scatter [tilespmem:s1], [sflag:$0x5], $0x200, $0x38;
	[tilespmem:$0x14100] =	vst v63  }
0x11c: {  	s6 =	sadd.s32 s18, s6;
	s5 =	sadd.s32 $0x680, s20;
	s13 =	simm.s32 $0x7500  }
0x11d: {  	[hbm4b:s5+s4] =	stream.linear.scatter [tilespmem:s13], [sflag:$0x5], $0x200, $0x38;
	[tilespmem:$0x14100] =	vst v63  }
0x11e: {  	s6 =	sshll.u32 s6, $0x8;
	s15 =	sadd.s32 $0x700, s20;
	s17 =	simm.s32 $0x7900  }
0x11f: {  	[hbm4b:s15+s4] =	stream.linear.scatter [tilespmem:s17], [sflag:$0x5], $0x200, $0x38;
	[tilespmem:$0x14100] =	vst v63  }
0x120: {  	s6 =	sand.u32 $0x1FFFF800, s6;
	s22 =	simm.s32 $0x7D00;
	s20 =	sadd.s32 $0x780, s20  }
0x121: {  	[hbm4b:s20+s4] =	stream.linear.scatter [tilespmem:s22], [sflag:$0x5], $0x200, $0x38;
	[tilespmem:$0x14100] =	vst v63  }
0x122: {  	s6 =	sadd.s32 s3, s6;
	s23 =	simm.s32 $0x4300  }
0x123: {  	[hbm4b:s6+s4] =	stream.linear.scatter [tilespmem:s23], [sflag:$0x5], $0x200, $0x38;
	[tilespmem:$0x14100] =	vst v63  }
0x124: {  	s24 =	sadd.s32 $0x80, s6;
	s25 =	simm.s32 $0x4700  }
0x125: {  	[hbm4b:s24+s4] =	stream.linear.scatter [tilespmem:s25], [sflag:$0x5], $0x200, $0x38;
	[tilespmem:$0x14100] =	vst v63  }
0x126: {  	s26 =	sadd.s32 $0x100, s6;
	s28 =	simm.s32 $0x4B00  }
0x127: {  	[hbm4b:s26+s4] =	stream.linear.scatter [tilespmem:s28], [sflag:$0x5], $0x200, $0x38;
	[tilespmem:$0x14100] =	vst v63  }
0x128: {  	s29 =	sadd.s32 $0x180, s6;
	s30 =	simm.s32 $0x4F00  }
0x129: {  	[hbm4b:s29+s4] =	stream.linear.scatter [tilespmem:s30], [sflag:$0x5], $0x200, $0x38;
	[tilespmem:$0x14100] =	vst v63  }
0x12a: {  	s3 =	sadd.s32 $0x200, s6;
	s5 =	simm.s32 $0x5300  }
0x12b: {  	[hbm4b:s3+s4] =	stream.linear.scatter [tilespmem:s5], [sflag:$0x5], $0x200, $0x38;
	[tilespmem:$0x14100] =	vst v63  }
0x12c: {  	s13 =	sadd.s32 $0x280, s6;
	s15 =	simm.s32 $0x5700  }
0x12d: {  	[hbm4b:s13+s4] =	stream.linear.scatter [tilespmem:s15], [sflag:$0x5], $0x200, $0x38;
	[tilespmem:$0x14100] =	vst v63  }
0x12e: {  	s21 =	simm.s32 $0x5B00;
	s17 =	sadd.s32 $0x300, s6  }
0x12f: {  	[hbm4b:s17+s4] =	stream.linear.scatter [tilespmem:s21], [sflag:$0x5], $0x200, $0x38;
	[tilespmem:$0x14100] =	vst v63  }
0x130: {  	s22 =	sadd.s32 $0x380, s6;
	s23 =	simm.s32 $0x5F00  }
0x131: {  	[hbm4b:s22+s4] =	stream.linear.scatter [tilespmem:s23], [sflag:$0x5], $0x200, $0x38;
	[tilespmem:$0x14100] =	vst v63  }
0x132: {  	s24 =	sadd.s32 $0x400, s6;
	s25 =	simm.s32 $0x6300  }
0x133: {  	[hbm4b:s24+s4] =	stream.linear.scatter [tilespmem:s25], [sflag:$0x5], $0x200, $0x38;
	[tilespmem:$0x14100] =	vst v63  }
0x134: {  	s26 =	sadd.s32 $0x480, s6;
	s28 =	simm.s32 $0x6700  }
0x135: {  	[hbm4b:s26+s4] =	stream.linear.scatter [tilespmem:s28], [sflag:$0x5], $0x200, $0x38;
	[tilespmem:$0x14100] =	vst v63  }
0x136: {  	s29 =	sadd.s32 $0x500, s6;
	s30 =	simm.s32 $0x6B00  }
0x137: {  	[hbm4b:s29+s4] =	stream.linear.scatter [tilespmem:s30], [sflag:$0x5], $0x200, $0x38;
	[tilespmem:$0x14100] =	vst v63  }
0x138: {  	s3 =	sadd.s32 $0x580, s6;
	s5 =	simm.s32 $0x6F00  }
0x139: {  	[hbm4b:s3+s4] =	stream.linear.scatter [tilespmem:s5], [sflag:$0x5], $0x200, $0x38;
	[tilespmem:$0x14100] =	vst v63  }
0x13a: {  	s13 =	sadd.s32 $0x600, s6;
	s15 =	simm.s32 $0x7300  }
0x13b: {  	[hbm4b:s13+s4] =	stream.linear.scatter [tilespmem:s15], [sflag:$0x5], $0x200, $0x38;
	[tilespmem:$0x14100] =	vst v63  }
0x13c: {  	s17 =	sadd.s32 $0x680, s6;
	s21 =	simm.s32 $0x7700  }
0x13d: {  	[hbm4b:s17+s4] =	stream.linear.scatter [tilespmem:s21], [sflag:$0x5], $0x200, $0x38;
	[tilespmem:$0x14100] =	vst v63  }
0x13e: {  	s22 =	sadd.s32 $0x700, s6;
	s23 =	simm.s32 $0x7B00  }
0x13f: {  	[hbm4b:s22+s4] =	stream.linear.scatter [tilespmem:s23], [sflag:$0x5], $0x200, $0x38;
	[tilespmem:$0x14100] =	vst v63  }
0x140: {  	p0 =	seq.s32 s31, $0x7;
	s6 =	sadd.s32 $0x780, s6;
	s24 =	simm.s32 $0x7F00  }
0x141: {  	[hbm4b:s6+s4] =	stream.linear.scatter [tilespmem:s24], [sflag:$0x5], $0x200, $0x38;
	[tilespmem:$0x14100] =	vst v63  }
0x142: {  	s6 =	simm.s32 @!p0 $0x5  }
0x143: {  	s2 =	sadd.s32 @!p0 $0x2, s2;
	_ =	swait.ge @!p0 [sflag:s6], $0x8000  }
0x144: {  	s20 =	sshll.u32 @!p0 s2, $0x4;
	[sflag:s6] =	ssyncset.done @!p0 $0x0  }
0x145: {  	[sflag:s6] =	ssyncadd.s32 @!p0 $0xFFFF8000;
	s6 =	sand.u32 @!p0 $0x3FFFFFF0, s20  }
0x146: {  	v3 =	vld @!p0 [tilespmem:s6+$0x0];
	_ =	sdelay $0x4  }
0x147: {  	v4 =	vshll.u32 @!p0 v3, $0x4  }
0x148: {  	v5 =	vlaneseq.u32 @!p0;
	v3 =	vand.u32 @!p0 $0x7, v3;
	v4 =	vand.u32 @!p0 $0xFFFFFF80, v4  }
0x149: {  	v6 =	vshrl.u32 @!p0 v5, $0x3;
	v3 =	vor.u32 @!p0 v3, v4;
	v4 =	vand.u32 @!p0 $0x7, v5  }
0x14a: {  	v6 =	vmul.u32 @!p0 $0x8, v6;
	v4 =	vperm.xlane @!p0 v3, v4;
	_ =	sdelay $0x1  }
0x14b: {  	v4 =	vadd.s32 @!p0 v6, v4;
	_ =	sdelay $0x3  }
0x14c: {  	vm1 =	vmmov @!p0 $0xffff;
	s20 =	simm.s32 @!p0 $0x100;
	s6 =	simm.s32 @!p0 $0x0;
	s1 =	rddreg [dreg:$0x1]  }
0x14d: {  	[tilespmem:s20], [sflag:$0x1] =	stream.indirect_vreg.gather @!p0 [hbm4b:s1+s6], $0x80, v4, vm1, $0xb8;
	[tilespmem:$0x14100] =	vst v63  }
0x14e: {  	s20 =	simm.s32 @!p0 $0x900  }
0x14f: {  	[tilespmem:s20], [sflag:$0x1] =	stream.indirect_vreg.gather @!p0 [hbm4b:s7+s6], $0x80, v4, vm1, $0xb8;
	[tilespmem:$0x14100] =	vst v63  }
0x150: {  	s20 =	simm.s32 @!p0 $0x1100  }
0x151: {  	[tilespmem:s20], [sflag:$0x1] =	stream.indirect_vreg.gather @!p0 [hbm4b:s8+s6], $0x80, v4, vm1, $0xb8;
	[tilespmem:$0x14100] =	vst v63  }
0x152: {  	s20 =	simm.s32 @!p0 $0x1900  }
0x153: {  	[tilespmem:s20], [sflag:$0x1] =	stream.indirect_vreg.gather @!p0 [hbm4b:s9+s6], $0x80, v4, vm1, $0xb8;
	[tilespmem:$0x14100] =	vst v63  }
0x154: {  	s20 =	simm.s32 @!p0 $0x2100  }
0x155: {  	v5 =	vor.u32 @!p0 $0x8, v5;
	[tilespmem:s20], [sflag:$0x1] =	stream.indirect_vreg.gather @!p0 [hbm4b:s10+s6], $0x80, v4, vm1, $0xb8;
	[tilespmem:$0x14100] =	vst v63  }
0x156: {  	v3 =	vperm.xlane @!p0 v3, v5;
	s20 =	simm.s32 @!p0 $0x2900  }
0x157: {  	[tilespmem:s20], [sflag:$0x1] =	stream.indirect_vreg.gather @!p0 [hbm4b:s11+s6], $0x80, v4, vm1, $0xb8;
	[tilespmem:$0x14100] =	vst v63  }
0x158: {  	v3 =	vadd.s32 @!p0 v6, v3;
	s20 =	simm.s32 @!p0 $0x3100  }
0x159: {  	[tilespmem:s20], [sflag:$0x1] =	stream.indirect_vreg.gather @!p0 [hbm4b:s12+s6], $0x80, v4, vm1, $0xb8;
	[tilespmem:$0x14100] =	vst v63  }
0x15a: {  	s20 =	simm.s32 @!p0 $0x3900  }
0x15b: {  	[tilespmem:s20], [sflag:$0x1] =	stream.indirect_vreg.gather @!p0 [hbm4b:s14+s6], $0x80, v4, vm1, $0xb8;
	[tilespmem:$0x14100] =	vst v63  }
0x15c: {  	s20 =	simm.s32 @!p0 $0x4100  }
0x15d: {  	[tilespmem:s20], [sflag:$0x1] =	stream.indirect_vreg.gather @!p0 [hbm4b:s1+s6], $0x80, v3, vm1, $0xb8;
	[tilespmem:$0x14100] =	vst v63  }
0x15e: {  	s20 =	simm.s32 @!p0 $0x4900  }
0x15f: {  	[tilespmem:s20], [sflag:$0x1] =	stream.indirect_vreg.gather @!p0 [hbm4b:s7+s6], $0x80, v3, vm1, $0xb8;
	[tilespmem:$0x14100] =	vst v63  }
0x160: {  	s20 =	simm.s32 @!p0 $0x5100  }
0x161: {  	[tilespmem:s20], [sflag:$0x1] =	stream.indirect_vreg.gather @!p0 [hbm4b:s8+s6], $0x80, v3, vm1, $0xb8;
	[tilespmem:$0x14100] =	vst v63  }
0x162: {  	s20 =	simm.s32 @!p0 $0x5900  }
0x163: {  	[tilespmem:s20], [sflag:$0x1] =	stream.indirect_vreg.gather @!p0 [hbm4b:s9+s6], $0x80, v3, vm1, $0xb8;
	[tilespmem:$0x14100] =	vst v63  }
0x164: {  	s20 =	simm.s32 @!p0 $0x6100  }
0x165: {  	[tilespmem:s20], [sflag:$0x1] =	stream.indirect_vreg.gather @!p0 [hbm4b:s10+s6], $0x80, v3, vm1, $0xb8;
	[tilespmem:$0x14100] =	vst v63  }
0x166: {  	s20 =	simm.s32 @!p0 $0x6900  }
0x167: {  	[tilespmem:s20], [sflag:$0x1] =	stream.indirect_vreg.gather @!p0 [hbm4b:s11+s6], $0x80, v3, vm1, $0xb8;
	[tilespmem:$0x14100] =	vst v63  }
0x168: {  	s20 =	simm.s32 @!p0 $0x7100  }
0x169: {  	[tilespmem:s20], [sflag:$0x1] =	stream.indirect_vreg.gather @!p0 [hbm4b:s12+s6], $0x80, v3, vm1, $0xb8;
	[tilespmem:$0x14100] =	vst v63  }
0x16a: {  	s2 =	sshll.u32 @!p0 s2, $0xA;
	s20 =	simm.s32 @!p0 $0x7900  }
0x16b: {  	[tilespmem:s20], [sflag:$0x1] =	stream.indirect_vreg.gather @!p0 [hbm4b:s14+s6], $0x80, v3, vm1, $0xb8;
	[tilespmem:$0x14100] =	vst v63  }
0x16c: {  	s25 =	simm.s32 $0x2;
	s21 =	simm.s32 @!p0 $0x10100;
	s6 =	rddreg [dreg:$0x6]  }
0x16d: {  	s20 =	simm.s32 @!p0 $0x400;
	s2 =	sadd.s32 @!p0 s2, s6;
	s6 =	simm.s32 @!p0 $0x200  }
0x16e: {  	[tilespmem:s21], [sflag:$0x3] =	stream.strided.gather @!p0 [hbm4b:s2+s6], $0x2000, s20, s6, $0x38;
	[tilespmem:$0x14100] =	vst v63  }
0x16f: {  	_ =	swait.ge [sflag:s25], $0x8000  }
0x170: {  	[sflag:s25] =	ssyncset.done $0x0  }
0x171: {  	s26 =	simm.s32 $0x4;
	s28 =	simm.s32 $0x0;
	[sflag:s25] =	ssyncadd.s32 $0xFFFF8000  }
0x172: {  	s30 =	simm.s32 $0x0;
	s6 =	simm.s32 $0x0;
	_ =	swait.ge [sflag:s26], $0x2000  }
0x173: {  	s2 =	sand.u32 $0x3FFFFC00, s28;
	s29 =	sand.u32 $0x70, s6;
	[sflag:s26] =	ssyncset.done $0x0  }
0x174: {  	s21 =	sand.u32 $0x3FFFFE00, s30;
	s2 =	sor.u32 s29, s2;
	[sflag:s26] =	ssyncadd.s32 $0xFFFFE000  }
0x175: {  	s20 =	sor.u32 s29, s21;
	v3 =	vld [tilespmem:s2+$0x8300]  }
0x176: {  	v4 =	vld [tilespmem:s20+$0x12100]  }
0x177: {  	v5 =	vld [tilespmem:s2+$0xC300]  }
0x178: {  	v6 =	vld [tilespmem:s2+$0x8100]  }
0x179: {  	v7 =	vld [tilespmem:s2+$0xC100];
	_ =	sdelay $0x1  }
0x17a: {  	v3 =	vadd.f32 v3, v4  }
0x17b: {  	v5 =	vadd.f32 v5, v4  }
0x17c: {  	[tilespmem:s2+$0x8300] =	vst v3;
	v3 =	vadd.f32 v6, v4  }
0x17d: {  	[tilespmem:s2+$0xC300] =	vst v5;
	v4 =	vadd.f32 v7, v4  }
0x17e: {  	[tilespmem:s2+$0x8100] =	vst v3  }
0x17f: {  	s21 =	sadd.s32 $0x12100, s20;
	[tilespmem:s2+$0xC100] =	vst v4;
	v4 =	vld [tilespmem:s2+$0x8180]  }
0x180: {  	v6 =	vld [tilespmem:s21+$0x80]  }
0x181: {  	v3 =	vld [tilespmem:s2+$0x8380]  }
0x182: {  	v5 =	vld [tilespmem:s2+$0xC380]  }
0x183: {  	v7 =	vld [tilespmem:s2+$0xC180];
	_ =	sdelay $0x1  }
0x184: {  	v4 =	vadd.f32 v4, v6  }
0x185: {  	v3 =	vadd.f32 v3, v6  }
0x186: {  	v5 =	vadd.f32 v5, v6;
	[tilespmem:s2+$0x8180] =	vst v4  }
0x187: {  	v4 =	vadd.f32 v7, v6;
	[tilespmem:s2+$0x8380] =	vst v3  }
0x188: {  	v7 =	vld [tilespmem:s2+$0x8400];
	[tilespmem:s2+$0xC380] =	vst v5  }
0x189: {  	v6 =	vld [tilespmem:s2+$0x8200];
	[tilespmem:s2+$0xC180] =	vst v4  }
0x18a: {  	v4 =	vld [tilespmem:s21+$0x100]  }
0x18b: {  	v3 =	vld [tilespmem:s2+$0xC400]  }
0x18c: {  	v5 =	vld [tilespmem:s2+$0xC200];
	_ =	sdelay $0x2  }
0x18d: {  	s20 =	simm.s32 $0x1;
	v6 =	vadd.f32 v6, v4;
	v7 =	vadd.f32 v7, v4  }
.LBB2_5:
0x18e: {  	p0 =	sne.s32 s20, $0x7F  }
0x18f: {  	v5 =	vadd.f32 v5, v4;
	v3 =	vadd.f32 v3, v4;
	s6 =	sadd.s32 $0x10, s6;
	s22 =	smov.u32 s20;
	s20 =	sadd.s32 $0x1, s20  }
0x190: {  	[tilespmem:s2+$0x8400] =	vst v7  }
0x191: {  	[tilespmem:s2+$0x8200] =	vst v6;
	v4 =	vld [tilespmem:s2+$0x8280]  }
0x192: {  	[tilespmem:s2+$0xC400] =	vst v3;
	v3 =	vld [tilespmem:s2+$0xC480]  }
0x193: {  	[tilespmem:s2+$0xC200] =	vst v5;
	v5 =	vld [tilespmem:s2+$0x8480]  }
0x194: {  	v6 =	vld [tilespmem:s21+$0x180]  }
0x195: {  	v7 =	vld [tilespmem:s2+$0xC280];
	_ =	sdelay $0x3  }
0x196: {  	s23 =	sshll.u32 s22, $0x6;
	s22 =	sshll.u32 s22, $0x7;
	s21 =	sand.u32 $0x70, s6;
	v4 =	vadd.f32 v4, v6;
	v5 =	vadd.f32 v5, v6  }
0x197: {  	s23 =	sand.u32 $0x3FFFFE00, s23;
	s22 =	sand.u32 $0x3FFFFC00, s22;
	v3 =	vadd.f32 v3, v6;
	v7 =	vadd.f32 v7, v6  }
0x198: {  	s23 =	sor.u32 s21, s23;
	s21 =	sor.u32 s21, s22;
	[tilespmem:s2+$0x8280] =	vst v4  }
0x199: {  	v4 =	vld [tilespmem:s21+$0xC300];
	[tilespmem:s2+$0x8480] =	vst v5  }
0x19a: {  	v5 =	vld [tilespmem:s21+$0xC100];
	[tilespmem:s2+$0xC480] =	vst v3  }
0x19b: {  	v3 =	vld [tilespmem:s21+$0x8300];
	[tilespmem:s2+$0xC280] =	vst v7;
	s2 =	smov.u32 s21  }
0x19c: {  	v6 =	vld [tilespmem:s23+$0x12100]  }
0x19d: {  	v7 =	vld [tilespmem:s2+$0x8100];
	_ =	sdelay $0x3  }
0x19e: {  	v3 =	vadd.f32 v3, v6  }
0x19f: {  	v5 =	vadd.f32 v5, v6;
	v4 =	vadd.f32 v4, v6  }
0x1a0: {  	v6 =	vadd.f32 v7, v6;
	[tilespmem:s2+$0x8300] =	vst v3  }
0x1a1: {  	[tilespmem:s2+$0xC300] =	vst v4;
	v3 =	vld [tilespmem:s2+$0xC380]  }
0x1a2: {  	[tilespmem:s2+$0x8100] =	vst v6;
	v4 =	vld [tilespmem:s2+$0x8380]  }
0x1a3: {  	s21 =	sadd.s32 $0x12100, s23;
	[tilespmem:s2+$0xC100] =	vst v5;
	v5 =	vld [tilespmem:s2+$0x8180]  }
0x1a4: {  	v6 =	vld [tilespmem:s21+$0x80]  }
0x1a5: {  	v7 =	vld [tilespmem:s2+$0xC180];
	_ =	sdelay $0x3  }
0x1a6: {  	v5 =	vadd.f32 v5, v6;
	v4 =	vadd.f32 v4, v6  }
0x1a7: {  	v7 =	vadd.f32 v7, v6;
	v6 =	vadd.f32 v3, v6  }
0x1a8: {  	[tilespmem:s2+$0x8180] =	vst v5  }
0x1a9: {  	[tilespmem:s2+$0x8380] =	vst v4;
	v3 =	vld [tilespmem:s2+$0xC400]  }
0x1aa: {  	[tilespmem:s2+$0xC180] =	vst v7;
	v7 =	vld [tilespmem:s2+$0x8400]  }
0x1ab: {  	[tilespmem:s2+$0xC380] =	vst v6;
	v6 =	vld [tilespmem:s2+$0x8200]  }
0x1ac: {  	v4 =	vld [tilespmem:s21+$0x100]  }
.Ltmp1:
0x1ad: {  	v5 =	vld [tilespmem:s2+$0xC200];
	(pc) =	sbr.rel @p0 .LBB2_5-.Ltmp1, $2  }
0x1ae: {  	_ =	sdelay $0x2  }
0x1af: {  	v6 =	vadd.f32 v6, v4;
	v7 =	vadd.f32 v7, v4  }
0x1b0: {  	_ = 	snop  }
0x1b1: {  	v3 =	vadd.f32 v3, v4;
	[tilespmem:s2+$0x8400] =	vst v7  }
0x1b2: {  	v61 =	vadd.f32 v5, v4;
	[tilespmem:s2+$0x8200] =	vst v6  }
0x1b3: {  	[tilespmem:s2+$0xC400] =	vst v3  }
0x1b4: {  	v60 =	vld [tilespmem:s2+$0x8280];
	[tilespmem:s2+$0xC200] =	vst v61  }
0x1b5: {  	v4 =	vld [tilespmem:s21+$0x180]  }
0x1b6: {  	v62 =	vld [tilespmem:s2+$0x8480]  }
0x1b7: {  	v3 =	vld [tilespmem:s2+$0xC480]  }
0x1b8: {  	v63 =	vld [tilespmem:s2+$0xC280];
	_ =	sdelay $0x1  }
0x1b9: {  	v6 =	vadd.f32 v60, v4  }
0x1ba: {  	s0 =	sshll.u32 s0, $0x2;
	v5 =	vadd.f32 v62, v4  }
0x1bb: {  	s6 =	sadd.s32 s16, s0;
	v3 =	vadd.f32 v3, v4;
	[tilespmem:s2+$0x8280] =	vst v6  }
0x1bc: {  	s6 =	sshll.u32 s6, $0x8;
	v4 =	vadd.f32 v63, v4;
	[tilespmem:s2+$0x8480] =	vst v5  }
0x1bd: {  	s6 =	sand.u32 $0x1FFFF800, s6;
	[tilespmem:s2+$0xC480] =	vst v3  }
0x1be: {  	s21 =	simm.s32 $0x8100;
	[tilespmem:s2+$0xC280] =	vst v4;
	s2 =	sadd.s32 s6, s19  }
0x1bf: {  	[hbm4b:s2+s4] =	stream.linear.scatter [tilespmem:s21], [sflag:$0x6], $0x200, $0x38;
	[tilespmem:$0x14100] =	vst v63  }
0x1c0: {  	s1 =	simm.s32 $0x8500;
	s6 =	sadd.s32 $0x80, s2  }
0x1c1: {  	[hbm4b:s6+s4] =	stream.linear.scatter [tilespmem:s1], [sflag:$0x6], $0x200, $0x38;
	[tilespmem:$0x14100] =	vst v63  }
0x1c2: {  	s22 =	simm.s32 $0x8900;
	s1 =	sadd.s32 $0x100, s2  }
0x1c3: {  	[hbm4b:s1+s4] =	stream.linear.scatter [tilespmem:s22], [sflag:$0x6], $0x200, $0x38;
	[tilespmem:$0x14100] =	vst v63  }
0x1c4: {  	s5 =	simm.s32 $0x8D00;
	s3 =	sadd.s32 $0x180, s2  }
0x1c5: {  	[hbm4b:s3+s4] =	stream.linear.scatter [tilespmem:s5], [sflag:$0x6], $0x200, $0x38;
	[tilespmem:$0x14100] =	vst v63  }
0x1c6: {  	s23 =	simm.s32 $0x9100;
	s13 =	sadd.s32 $0x200, s2  }
0x1c7: {  	[hbm4b:s13+s4] =	stream.linear.scatter [tilespmem:s23], [sflag:$0x6], $0x200, $0x38;
	[tilespmem:$0x14100] =	vst v63  }
0x1c8: {  	s17 =	simm.s32 $0x9500;
	s15 =	sadd.s32 $0x280, s2  }
0x1c9: {  	[hbm4b:s15+s4] =	stream.linear.scatter [tilespmem:s17], [sflag:$0x6], $0x200, $0x38;
	[tilespmem:$0x14100] =	vst v63  }
0x1ca: {  	s24 =	simm.s32 $0x9900;
	s20 =	sadd.s32 $0x300, s2  }
0x1cb: {  	[hbm4b:s20+s4] =	stream.linear.scatter [tilespmem:s24], [sflag:$0x6], $0x200, $0x38;
	[tilespmem:$0x14100] =	vst v63  }
0x1cc: {  	s26 =	simm.s32 $0x9D00;
	s25 =	sadd.s32 $0x380, s2  }
0x1cd: {  	[hbm4b:s25+s4] =	stream.linear.scatter [tilespmem:s26], [sflag:$0x6], $0x200, $0x38;
	[tilespmem:$0x14100] =	vst v63  }
0x1ce: {  	s3 =	sadd.s32 $0x400, s2;
	s20 =	simm.s32 $0xA100  }
0x1cf: {  	[hbm4b:s3+s4] =	stream.linear.scatter [tilespmem:s20], [sflag:$0x6], $0x200, $0x38;
	[tilespmem:$0x14100] =	vst v63  }
0x1d0: {  	s5 =	sadd.s32 $0x480, s2;
	s13 =	simm.s32 $0xA500  }
0x1d1: {  	[hbm4b:s5+s4] =	stream.linear.scatter [tilespmem:s13], [sflag:$0x6], $0x200, $0x38;
	[tilespmem:$0x14100] =	vst v63  }
0x1d2: {  	s15 =	sadd.s32 $0x500, s2;
	s25 =	simm.s32 $0xA900  }
0x1d3: {  	[hbm4b:s15+s4] =	stream.linear.scatter [tilespmem:s25], [sflag:$0x6], $0x200, $0x38;
	[tilespmem:$0x14100] =	vst v63  }
0x1d4: {  	s17 =	sadd.s32 $0x580, s2;
	s26 =	simm.s32 $0xAD00  }
0x1d5: {  	[hbm4b:s17+s4] =	stream.linear.scatter [tilespmem:s26], [sflag:$0x6], $0x200, $0x38;
	[tilespmem:$0x14100] =	vst v63  }
0x1d6: {  	s1 =	sadd.s32 $0x600, s2;
	s15 =	simm.s32 $0xB100  }
0x1d7: {  	[hbm4b:s1+s4] =	stream.linear.scatter [tilespmem:s15], [sflag:$0x6], $0x200, $0x38;
	[tilespmem:$0x14100] =	vst v63  }
0x1d8: {  	s3 =	sadd.s32 $0x680, s2;
	s5 =	simm.s32 $0xB500  }
0x1d9: {  	[hbm4b:s3+s4] =	stream.linear.scatter [tilespmem:s5], [sflag:$0x6], $0x200, $0x38;
	[tilespmem:$0x14100] =	vst v63  }
0x1da: {  	s13 =	sadd.s32 $0x700, s2;
	s26 =	simm.s32 $0xB900;
	s3 =	rddreg [dreg:$0x9]  }
0x1db: {  	[hbm4b:s13+s4] =	stream.linear.scatter [tilespmem:s26], [sflag:$0x6], $0x200, $0x38;
	[tilespmem:$0x14100] =	vst v63  }
0x1dc: {  	s2 =	sadd.s32 $0x780, s2;
	s17 =	simm.s32 $0xBD00;
	s5 =	sadd.s32 s3, s0  }
0x1dd: {  	[hbm4b:s2+s4] =	stream.linear.scatter [tilespmem:s17], [sflag:$0x6], $0x200, $0x38;
	[tilespmem:$0x14100] =	vst v63  }
0x1de: {  	s2 =	sshll.u32 s5, $0x8  }
0x1df: {  	s2 =	sand.u32 $0x1FFFF800, s2  }
0x1e0: {  	s6 =	simm.s32 $0x8300;
	s2 =	sadd.s32 s2, s19  }
0x1e1: {  	[hbm4b:s2+s4] =	stream.linear.scatter [tilespmem:s6], [sflag:$0x6], $0x200, $0x38;
	[tilespmem:$0x14100] =	vst v63  }
0x1e2: {  	s17 =	simm.s32 $0x8700;
	s13 =	sadd.s32 $0x80, s2  }
0x1e3: {  	[hbm4b:s13+s4] =	stream.linear.scatter [tilespmem:s17], [sflag:$0x6], $0x200, $0x38;
	[tilespmem:$0x14100] =	vst v63  }
0x1e4: {  	s5 =	simm.s32 $0x8B00;
	s3 =	sadd.s32 $0x100, s2  }
0x1e5: {  	[hbm4b:s3+s4] =	stream.linear.scatter [tilespmem:s5], [sflag:$0x6], $0x200, $0x38;
	[tilespmem:$0x14100] =	vst v63  }
0x1e6: {  	s13 =	sadd.s32 $0x180, s2;
	s17 =	simm.s32 $0x8F00  }
0x1e7: {  	[hbm4b:s13+s4] =	stream.linear.scatter [tilespmem:s17], [sflag:$0x6], $0x200, $0x38;
	[tilespmem:$0x14100] =	vst v63  }
0x1e8: {  	s3 =	sadd.s32 $0x200, s2;
	s5 =	simm.s32 $0x9300  }
0x1e9: {  	[hbm4b:s3+s4] =	stream.linear.scatter [tilespmem:s5], [sflag:$0x6], $0x200, $0x38;
	[tilespmem:$0x14100] =	vst v63  }
0x1ea: {  	s13 =	sadd.s32 $0x280, s2;
	s17 =	simm.s32 $0x9700  }
0x1eb: {  	[hbm4b:s13+s4] =	stream.linear.scatter [tilespmem:s17], [sflag:$0x6], $0x200, $0x38;
	[tilespmem:$0x14100] =	vst v63  }
0x1ec: {  	s3 =	sadd.s32 $0x300, s2;
	s5 =	simm.s32 $0x9B00  }
0x1ed: {  	[hbm4b:s3+s4] =	stream.linear.scatter [tilespmem:s5], [sflag:$0x6], $0x200, $0x38;
	[tilespmem:$0x14100] =	vst v63  }
0x1ee: {  	s13 =	sadd.s32 $0x380, s2;
	s17 =	simm.s32 $0x9F00  }
0x1ef: {  	[hbm4b:s13+s4] =	stream.linear.scatter [tilespmem:s17], [sflag:$0x6], $0x200, $0x38;
	[tilespmem:$0x14100] =	vst v63  }
0x1f0: {  	s3 =	sadd.s32 $0x400, s2;
	s5 =	simm.s32 $0xA300  }
0x1f1: {  	[hbm4b:s3+s4] =	stream.linear.scatter [tilespmem:s5], [sflag:$0x6], $0x200, $0x38;
	[tilespmem:$0x14100] =	vst v63  }
0x1f2: {  	s13 =	sadd.s32 $0x480, s2;
	s17 =	simm.s32 $0xA700  }
0x1f3: {  	[hbm4b:s13+s4] =	stream.linear.scatter [tilespmem:s17], [sflag:$0x6], $0x200, $0x38;
	[tilespmem:$0x14100] =	vst v63  }
0x1f4: {  	s3 =	sadd.s32 $0x500, s2;
	s5 =	simm.s32 $0xAB00  }
0x1f5: {  	[hbm4b:s3+s4] =	stream.linear.scatter [tilespmem:s5], [sflag:$0x6], $0x200, $0x38;
	[tilespmem:$0x14100] =	vst v63  }
0x1f6: {  	s13 =	sadd.s32 $0x580, s2;
	s17 =	simm.s32 $0xAF00  }
0x1f7: {  	[hbm4b:s13+s4] =	stream.linear.scatter [tilespmem:s17], [sflag:$0x6], $0x200, $0x38;
	[tilespmem:$0x14100] =	vst v63  }
0x1f8: {  	s3 =	sadd.s32 $0x600, s2;
	s5 =	simm.s32 $0xB300  }
0x1f9: {  	[hbm4b:s3+s4] =	stream.linear.scatter [tilespmem:s5], [sflag:$0x6], $0x200, $0x38;
	[tilespmem:$0x14100] =	vst v63  }
0x1fa: {  	s13 =	sadd.s32 $0x680, s2;
	s17 =	simm.s32 $0xB700  }
0x1fb: {  	[hbm4b:s13+s4] =	stream.linear.scatter [tilespmem:s17], [sflag:$0x6], $0x200, $0x38;
	[tilespmem:$0x14100] =	vst v63  }
0x1fc: {  	s3 =	sadd.s32 $0x700, s2;
	s5 =	simm.s32 $0xBB00;
	s13 =	rddreg [dreg:$0xa]  }
0x1fd: {  	[hbm4b:s3+s4] =	stream.linear.scatter [tilespmem:s5], [sflag:$0x6], $0x200, $0x38;
	[tilespmem:$0x14100] =	vst v63  }
0x1fe: {  	s6 =	simm.s32 $0xBF00;
	s2 =	sadd.s32 $0x780, s2;
	s17 =	sadd.s32 s13, s0  }
0x1ff: {  	[hbm4b:s2+s4] =	stream.linear.scatter [tilespmem:s6], [sflag:$0x6], $0x200, $0x38;
	[tilespmem:$0x14100] =	vst v63  }
0x200: {  	s2 =	sshll.u32 s17, $0x8  }
0x201: {  	s2 =	sand.u32 $0x1FFFF800, s2  }
0x202: {  	s28 =	simm.s32 $0xC100;
	s2 =	sadd.s32 s2, s19  }
0x203: {  	[hbm4b:s2+s4] =	stream.linear.scatter [tilespmem:s28], [sflag:$0x6], $0x200, $0x38;
	[tilespmem:$0x14100] =	vst v63  }
0x204: {  	s3 =	simm.s32 $0xC500;
	s1 =	sadd.s32 $0x80, s2  }
0x205: {  	[hbm4b:s1+s4] =	stream.linear.scatter [tilespmem:s3], [sflag:$0x6], $0x200, $0x38;
	[tilespmem:$0x14100] =	vst v63  }
0x206: {  	s29 =	simm.s32 $0xC900;
	s5 =	sadd.s32 $0x100, s2  }
0x207: {  	[hbm4b:s5+s4] =	stream.linear.scatter [tilespmem:s29], [sflag:$0x6], $0x200, $0x38;
	[tilespmem:$0x14100] =	vst v63  }
0x208: {  	s17 =	simm.s32 $0xCD00;
	s13 =	sadd.s32 $0x180, s2  }
0x209: {  	[hbm4b:s13+s4] =	stream.linear.scatter [tilespmem:s17], [sflag:$0x6], $0x200, $0x38;
	[tilespmem:$0x14100] =	vst v63  }
0x20a: {  	s3 =	sadd.s32 $0x200, s2;
	s13 =	simm.s32 $0xD100  }
0x20b: {  	[hbm4b:s3+s4] =	stream.linear.scatter [tilespmem:s13], [sflag:$0x6], $0x200, $0x38;
	[tilespmem:$0x14100] =	vst v63  }
0x20c: {  	s5 =	sadd.s32 $0x280, s2;
	s17 =	simm.s32 $0xD500  }
0x20d: {  	[hbm4b:s5+s4] =	stream.linear.scatter [tilespmem:s17], [sflag:$0x6], $0x200, $0x38;
	[tilespmem:$0x14100] =	vst v63  }
0x20e: {  	s30 =	simm.s32 $0xD900;
	s3 =	sadd.s32 $0x300, s2  }
0x20f: {  	[hbm4b:s3+s4] =	stream.linear.scatter [tilespmem:s30], [sflag:$0x6], $0x200, $0x38;
	[tilespmem:$0x14100] =	vst v63  }
0x210: {  	s5 =	sadd.s32 $0x380, s2;
	s17 =	simm.s32 $0xDD00  }
0x211: {  	[hbm4b:s5+s4] =	stream.linear.scatter [tilespmem:s17], [sflag:$0x6], $0x200, $0x38;
	[tilespmem:$0x14100] =	vst v63  }
0x212: {  	s1 =	sadd.s32 $0x400, s2;
	s3 =	simm.s32 $0xE100  }
0x213: {  	[hbm4b:s1+s4] =	stream.linear.scatter [tilespmem:s3], [sflag:$0x6], $0x200, $0x38;
	[tilespmem:$0x14100] =	vst v63  }
0x214: {  	s5 =	sadd.s32 $0x480, s2;
	s17 =	simm.s32 $0xE500  }
0x215: {  	[hbm4b:s5+s4] =	stream.linear.scatter [tilespmem:s17], [sflag:$0x6], $0x200, $0x38;
	[tilespmem:$0x14100] =	vst v63  }
0x216: {  	s1 =	simm.s32 $0xE900;
	s5 =	sadd.s32 $0x500, s2  }
0x217: {  	[hbm4b:s5+s4] =	stream.linear.scatter [tilespmem:s1], [sflag:$0x6], $0x200, $0x38;
	[tilespmem:$0x14100] =	vst v63  }
0x218: {  	s17 =	sadd.s32 $0x580, s2;
	s5 =	simm.s32 $0xED00  }
0x219: {  	[hbm4b:s17+s4] =	stream.linear.scatter [tilespmem:s5], [sflag:$0x6], $0x200, $0x38;
	[tilespmem:$0x14100] =	vst v63  }
0x21a: {  	s17 =	sadd.s32 $0x600, s2;
	s5 =	simm.s32 $0xF100  }
0x21b: {  	[hbm4b:s17+s4] =	stream.linear.scatter [tilespmem:s5], [sflag:$0x6], $0x200, $0x38;
	[tilespmem:$0x14100] =	vst v63  }
0x21c: {  	s0 =	sadd.s32 s18, s0;
	s6 =	sadd.s32 $0x680, s2;
	s17 =	simm.s32 $0xF500  }
0x21d: {  	[hbm4b:s6+s4] =	stream.linear.scatter [tilespmem:s17], [sflag:$0x6], $0x200, $0x38;
	[tilespmem:$0x14100] =	vst v63  }
0x21e: {  	s0 =	sshll.u32 s0, $0x8;
	s6 =	sadd.s32 $0x700, s2;
	s17 =	simm.s32 $0xF900  }
0x21f: {  	[hbm4b:s6+s4] =	stream.linear.scatter [tilespmem:s17], [sflag:$0x6], $0x200, $0x38;
	[tilespmem:$0x14100] =	vst v63  }
0x220: {  	s0 =	sand.u32 $0x1FFFF800, s0;
	s2 =	sadd.s32 $0x780, s2;
	s6 =	simm.s32 $0xFD00  }
0x221: {  	[hbm4b:s2+s4] =	stream.linear.scatter [tilespmem:s6], [sflag:$0x6], $0x200, $0x38;
	[tilespmem:$0x14100] =	vst v63  }
0x222: {  	s0 =	sadd.s32 s0, s19;
	s6 =	simm.s32 $0xC300  }
0x223: {  	[hbm4b:s0+s4] =	stream.linear.scatter [tilespmem:s6], [sflag:$0x6], $0x200, $0x38;
	[tilespmem:$0x14100] =	vst v63  }
0x224: {  	s2 =	sadd.s32 $0x80, s0;
	s6 =	simm.s32 $0xC700  }
0x225: {  	[hbm4b:s2+s4] =	stream.linear.scatter [tilespmem:s6], [sflag:$0x6], $0x200, $0x38;
	[tilespmem:$0x14100] =	vst v63  }
0x226: {  	s2 =	sadd.s32 $0x100, s0;
	s6 =	simm.s32 $0xCB00  }
0x227: {  	[hbm4b:s2+s4] =	stream.linear.scatter [tilespmem:s6], [sflag:$0x6], $0x200, $0x38;
	[tilespmem:$0x14100] =	vst v63  }
0x228: {  	s2 =	sadd.s32 $0x180, s0;
	s6 =	simm.s32 $0xCF00  }
0x229: {  	[hbm4b:s2+s4] =	stream.linear.scatter [tilespmem:s6], [sflag:$0x6], $0x200, $0x38;
	[tilespmem:$0x14100] =	vst v63  }
0x22a: {  	s2 =	sadd.s32 $0x200, s0;
	s6 =	simm.s32 $0xD300  }
0x22b: {  	[hbm4b:s2+s4] =	stream.linear.scatter [tilespmem:s6], [sflag:$0x6], $0x200, $0x38;
	[tilespmem:$0x14100] =	vst v63  }
0x22c: {  	s2 =	sadd.s32 $0x280, s0;
	s6 =	simm.s32 $0xD700  }
0x22d: {  	[hbm4b:s2+s4] =	stream.linear.scatter [tilespmem:s6], [sflag:$0x6], $0x200, $0x38;
	[tilespmem:$0x14100] =	vst v63  }
0x22e: {  	s2 =	sadd.s32 $0x300, s0;
	s6 =	simm.s32 $0xDB00  }
0x22f: {  	[hbm4b:s2+s4] =	stream.linear.scatter [tilespmem:s6], [sflag:$0x6], $0x200, $0x38;
	[tilespmem:$0x14100] =	vst v63  }
0x230: {  	s2 =	sadd.s32 $0x380, s0;
	s6 =	simm.s32 $0xDF00  }
0x231: {  	[hbm4b:s2+s4] =	stream.linear.scatter [tilespmem:s6], [sflag:$0x6], $0x200, $0x38;
	[tilespmem:$0x14100] =	vst v63  }
0x232: {  	s2 =	sadd.s32 $0x400, s0;
	s6 =	simm.s32 $0xE300  }
0x233: {  	[hbm4b:s2+s4] =	stream.linear.scatter [tilespmem:s6], [sflag:$0x6], $0x200, $0x38;
	[tilespmem:$0x14100] =	vst v63  }
0x234: {  	s2 =	sadd.s32 $0x480, s0;
	s6 =	simm.s32 $0xE700  }
0x235: {  	[hbm4b:s2+s4] =	stream.linear.scatter [tilespmem:s6], [sflag:$0x6], $0x200, $0x38;
	[tilespmem:$0x14100] =	vst v63  }
0x236: {  	s2 =	sadd.s32 $0x500, s0;
	s6 =	simm.s32 $0xEB00  }
0x237: {  	[hbm4b:s2+s4] =	stream.linear.scatter [tilespmem:s6], [sflag:$0x6], $0x200, $0x38;
	[tilespmem:$0x14100] =	vst v63  }
0x238: {  	s2 =	sadd.s32 $0x580, s0;
	s6 =	simm.s32 $0xEF00  }
0x239: {  	[hbm4b:s2+s4] =	stream.linear.scatter [tilespmem:s6], [sflag:$0x6], $0x200, $0x38;
	[tilespmem:$0x14100] =	vst v63  }
0x23a: {  	s31 =	sadd.s32 $0x1, s31;
	s2 =	sadd.s32 $0x600, s0;
	s6 =	simm.s32 $0xF300  }
0x23b: {  	[hbm4b:s2+s4] =	stream.linear.scatter [tilespmem:s6], [sflag:$0x6], $0x200, $0x38;
	[tilespmem:$0x14100] =	vst v63  }
0x23c: {  	p0 =	sne.s32 s31, $0x8;
	s2 =	sadd.s32 $0x680, s0;
	s6 =	simm.s32 $0xF700  }
0x23d: {  	[hbm4b:s2+s4] =	stream.linear.scatter [tilespmem:s6], [sflag:$0x6], $0x200, $0x38;
	[tilespmem:$0x14100] =	vst v63  }
.Ltmp2:
0x23e: {  	_ = 	snop;
	(pc) =	sbr.rel @p0 .LBB2_2-.Ltmp2, $4  }
0x23f: {  	s2 =	sadd.s32 $0x700, s0;
	s6 =	simm.s32 $0xFB00  }
0x240: {  	[hbm4b:s2+s4] =	stream.linear.scatter [tilespmem:s6], [sflag:$0x6], $0x200, $0x38;
	[tilespmem:$0x14100] =	vst v63  }
0x241: {  	s0 =	sadd.s32 $0x780, s0;
	s6 =	simm.s32 $0xFF00  }
0x242: {  	[hbm4b:s0+s4] =	stream.linear.scatter [tilespmem:s6], [sflag:$0x6], $0x200, $0x38;
	[tilespmem:$0x14100] =	vst v63  }
0x243: {  	s0 =	simm.s32 $0x5  }
0x244: {  	_ =	swait.ge [sflag:s0], $0x8000  }
0x245: {  	[sflag:s0] =	ssyncset.done $0x0  }
0x246: {  	s1 =	simm.s32 $0x6;
	[sflag:s0] =	ssyncadd.s32 $0xFFFF8000  }
0x247: {  	_ =	swait.ge [sflag:s1], $0x8000  }
0x248: {  	s2 =	rddreg [dreg:$0xb]  }
0x249: {  	s31 =	rddreg [dreg:$0x8];
	s2 =	sadd.s32 $0x1, s2  }
0x24a: {  	p0 =	sne.s32 s2, s31  }
.Ltmp3:
0x24b: {  	_ = 	snop;
	(pc) =	sbr.rel @p0 .LBB2_1-.Ltmp3, $3  }
0x24c: {  	_ =	sdelay $0x1  }
0x24d: {  	[sflag:s1] =	ssyncset.done $0x0  }
0x24e: {  	[sflag:s1] =	ssyncadd.s32 $0xFFFF8000  }
0x24f: {  	_ =	sfence.sel $0x180000  }
0x250: {  	[bflag:$0x0] =	sbarrier.arrive $0xFFFF  }
0x251: {  	_ =	strace $0x90000047  }
0x252: {  	s0 =	stileid.u32;
	[bflag:$0x2] =	sbarrier.arrive $0xFFFF  }
0x253: {  	p0 =	sne.s32 s0, $0x0;
	s0 =	rddreg [dreg:$0x4]  }
0x254: {  	s0 =	sadd.s32 @!p0 $0x100000, s0  }
0x255: {  	[sflag:s0] =	ssyncadd.tile.s32 @!p0 $0x1;
	_ =	shalt  }
.Lfunc_end2:
_tile_overlayer_lowered:
.L_overlay_start_2:
0x256: {  	(tag) =	ssettag $0x2  }
0x257: {  	s0 =	rddreg [dreg:$0x0];
	s2 =	stileid.u32  }
0x258: {  	s1 =	rddreg [dreg:$0x1];
	p0 =	sne.s32 s2, $0x0  }
0x259: {  	s3 =	rddreg [dreg:$0x2];
	[bflag:$0x3] =	sbarrier.arrive $0xFFFF;
	s2 =	simm.s32 @!p0 $0x1C07  }
0x25a: {  	[timem:s3], [sflag:s2] =	dma.local @!p0 [hbm:s0], s1  }
0x25b: {  	s0 =	simm.s32 @!p0 $0x7  }
0x25c: {  	_ =	swait.ge @!p0 [sflag:s0], s1  }
0x25d: {  	s1 =	ssub.s32 @!p0 $0x0, s1;
	[sflag:s0] =	ssyncset.done @!p0 $0x0  }
0x25e: {  	[sflag:s0] =	ssyncadd.s32 @!p0 s1  }
0x25f: {  	[bflag:$0x3] =	sbarrier.arrive $0xFFFF  }
0x260: {  	_ =	shalt  }

</sc_bundles>
